<compile_context>
chip_gen: v7x
topology: tpu7x:2x2x1
jax: 0.10.2.dev20260603
libtpu: 0.0.44.dev20260713+nightly
codegen_flags: <defaults>
</compile_context>

<pallas_src>
import jax
import jax.numpy as jnp
from jax import lax
from jax.experimental import pallas as pl
from jax.experimental.pallas import tpu as pltpu
from jax.experimental.pallas import tpu_sc as plsc

N = 10000
E = 320000
D = 128
H = 128
C = 2

NC = 2
NS = 16
DH = D // 2
EPT = E // NS
K = 200
CHUNKS = EPT // K
HALF = CHUNKS // 2
CW = 8
N_PAD = 10240
RPT = N_PAD // NS


def _seg_body(with_cnt, x_hbm, sa_hbm, ei_hbm, zrow_hbm, zcnt_hbm, ones_hbm,
              part_hbm, cntp_hbm, acc, cacc, sidx, didx, rows_a, rows_b,
              ones_v, gsem_a, gsem_b, isem_a, isem_b):
    c = lax.axis_index("c")
    s = lax.axis_index("s")

    pltpu.sync_copy(zrow_hbm, acc.at[pl.ds(s * RPT, RPT), :])
    if with_cnt:
        pltpu.sync_copy(zcnt_hbm, cacc.at[pl.ds(s * RPT, RPT), :])
        pltpu.sync_copy(ones_hbm, ones_v)

    base_w = s * EPT
    pltpu.sync_copy(sa_hbm.at[c].at[pl.ds(base_w, EPT)], sidx)
    pltpu.sync_copy(ei_hbm.at[1].at[pl.ds(base_w, EPT)], didx)
    plsc.subcore_barrier()

    xs = x_hbm

    def start_gather(ci, rb, sem):
        pltpu.async_copy(xs.at[sidx.at[pl.ds(ci * K, K)]], rb, sem)

    def wait_gather(ci, rb, sem):
        pltpu.make_async_copy(xs.at[sidx.at[pl.ds(ci * K, K)]], rb,
                              sem).wait()

    def scatter(rb, ci):
        db = didx.at[pl.ds(ci * K, K)]
        pltpu.sync_copy(rb, acc.at[db], add=True)
        if with_cnt:
            pltpu.sync_copy(ones_v, cacc.at[db], add=True)

    start_gather(0, rows_a, gsem_a)
    start_gather(1, rows_b, gsem_b)

    def step(j, carry):
        c0 = 2 * j
        wait_gather(c0, rows_a, gsem_a)
        scatter(rows_a, c0)

        @pl.when(j + 1 < HALF)
        def _():
            start_gather(c0 + 2, rows_a, gsem_a)

        wait_gather(c0 + 1, rows_b, gsem_b)
        scatter(rows_b, c0 + 1)

        @pl.when(j + 1 < HALF)
        def _():
            start_gather(c0 + 3, rows_b, gsem_b)

        return carry

    lax.fori_loop(0, HALF, step, 0)

    plsc.subcore_barrier()
    pltpu.sync_copy(acc.at[pl.ds(s * RPT, RPT), :],
                    part_hbm.at[c, pl.ds(s * RPT, RPT), :])
    if with_cnt:
        pltpu.sync_copy(cacc.at[pl.ds(s * RPT, RPT), :],
                        cntp_hbm.at[c, pl.ds(s * RPT, RPT), :])


def _make_seg_sum(with_cnt):
    mesh = plsc.VectorSubcoreMesh(core_axis_name="c", subcore_axis_name="s")
    out_type = [jax.ShapeDtypeStruct((NC, N_PAD, DH), jnp.float32)]
    scratch = [
        pltpu.VMEM_SHARED((N_PAD, DH), jnp.float32),
        pltpu.VMEM((EPT,), jnp.int32),
        pltpu.VMEM((EPT,), jnp.int32),
        pltpu.VMEM((K, DH), jnp.float32),
        pltpu.VMEM((K, DH), jnp.float32),
        pltpu.SemaphoreType.DMA,
        pltpu.SemaphoreType.DMA,
        pltpu.SemaphoreType.DMA,
        pltpu.SemaphoreType.DMA,
    ]
    if with_cnt:
        out_type.append(jax.ShapeDtypeStruct((NC, N_PAD, CW), jnp.float32))
        scratch.insert(1, pltpu.VMEM_SHARED((N_PAD, CW), jnp.float32))
        scratch.insert(-4, pltpu.VMEM((K, CW), jnp.float32))

    if with_cnt:
        def body(x_hbm, sa_hbm, ei_hbm, zrow_hbm, zcnt_hbm, ones_hbm,
                 part_hbm, cntp_hbm, acc, cacc, sidx, didx,
                 rows_a, rows_b, ones_v, gsem_a, gsem_b, isem_a, isem_b):
            _seg_body(True, x_hbm, sa_hbm, ei_hbm, zrow_hbm, zcnt_hbm,
                      ones_hbm, part_hbm, cntp_hbm, acc, cacc, sidx,
                      didx, rows_a, rows_b, ones_v, gsem_a, gsem_b,
                      isem_a, isem_b)
    else:
        def body(x_hbm, sa_hbm, ei_hbm, zrow_hbm, part_hbm, acc,
                 sidx, didx, rows_a, rows_b, gsem_a, gsem_b,
                 isem_a, isem_b):
            _seg_body(False, x_hbm, sa_hbm, ei_hbm, zrow_hbm, None,
                      None, part_hbm, None, acc, None, sidx, didx,
                      rows_a, rows_b, None, gsem_a, gsem_b,
                      isem_a, isem_b)

    return pl.kernel(body, out_type=tuple(out_type), mesh=mesh,
                     scratch_types=scratch,
                     compiler_params=pltpu.CompilerParams(
                         use_tc_tiling_on_sc=False))


_seg_sum_cnt = _make_seg_sum(True)
_seg_sum = _make_seg_sum(False)

BR = 2000


def _tc1_body(x_ref, p_ref, c_ref, w_ref, b_ref, h_ref):
    cnt = c_ref[0, :, 0:1]
    recip = 1.0 / jnp.maximum(cnt, 1.0)
    h = jnp.dot(x_ref[...], w_ref[:D, :], preferred_element_type=jnp.float32)
    h += jnp.dot(p_ref[0] * recip, w_ref[D:D + DH, :],
                 preferred_element_type=jnp.float32)
    h += jnp.dot(p_ref[1] * recip, w_ref[D + DH:, :],
                 preferred_element_type=jnp.float32)
    h += b_ref[...]
    h_ref[...] = jnp.maximum(h, 0.0)


def _tc2_body(h_ref, p_ref, c_ref, w_ref, b_ref, wl1_ref, bl1_ref,
              wl2_ref, bl2_ref, out_ref):
    cnt = c_ref[0, :, 0:1]
    recip = 1.0 / jnp.maximum(cnt, 1.0)
    h2 = jnp.dot(h_ref[...], w_ref[:H, :], preferred_element_type=jnp.float32)
    h2 += jnp.dot(p_ref[0] * recip, w_ref[H:H + DH, :],
                  preferred_element_type=jnp.float32)
    h2 += jnp.dot(p_ref[1] * recip, w_ref[H + DH:, :],
                  preferred_element_type=jnp.float32)
    h2 += b_ref[...]
    h2 = jnp.maximum(h2, 0.0)
    s = jnp.dot(h2, wl1_ref[...], preferred_element_type=jnp.float32)
    s = jnp.maximum(s + bl1_ref[...], 0.0)
    out = jnp.dot(s, wl2_ref[...], preferred_element_type=jnp.float32)
    out_ref[...] = out + bl2_ref[...]


def _tc1(x, P, Cn, W1, b1):
    return pl.pallas_call(
        _tc1_body,
        grid=(N // BR,),
        in_specs=[
            pl.BlockSpec((BR, D), lambda i: (i, 0)),
            pl.BlockSpec((NC, BR, DH), lambda i: (0, i, 0)),
            pl.BlockSpec((1, BR, CW), lambda i: (0, i, 0)),
            pl.BlockSpec((2 * D, H), lambda i: (0, 0)),
            pl.BlockSpec((1, H), lambda i: (0, 0)),
        ],
        out_specs=pl.BlockSpec((BR, H), lambda i: (i, 0)),
        out_shape=jax.ShapeDtypeStruct((N, H), jnp.float32),
    )(x, P, Cn, W1, b1)


def _tc2(hs, P, Cn, W2, b2, Wl1, bl1, Wl2, bl2):
    return pl.pallas_call(
        _tc2_body,
        grid=(N // BR,),
        in_specs=[
            pl.BlockSpec((BR, H), lambda i: (i, 0)),
            pl.BlockSpec((NC, BR, DH), lambda i: (0, i, 0)),
            pl.BlockSpec((1, BR, CW), lambda i: (0, i, 0)),
            pl.BlockSpec((2 * H, H), lambda i: (0, 0)),
            pl.BlockSpec((1, H), lambda i: (0, 0)),
            pl.BlockSpec((H, H), lambda i: (0, 0)),
            pl.BlockSpec((1, H), lambda i: (0, 0)),
            pl.BlockSpec((H, C), lambda i: (0, 0)),
            pl.BlockSpec((1, C), lambda i: (0, 0)),
        ],
        out_specs=pl.BlockSpec((BR, C), lambda i: (i, 0)),
        out_shape=jax.ShapeDtypeStruct((N, C), jnp.float32),
    )(hs, P, Cn, W2, b2, Wl1, bl1, Wl2, bl2)


def kernel(x, edge_index, W1, b1, W2, b2, Wl1, bl1, Wl2, bl2):
    xv = x.reshape(2 * N, DH)

    zrow = jnp.zeros((RPT, DH), jnp.float32)
    zcnt = jnp.zeros((RPT, CW), jnp.float32)
    ones = jnp.ones((K, CW), jnp.float32)

    src2 = edge_index[0] * 2
    srcadj = jnp.stack([src2, src2 + 1])

    P1, Cn = _seg_sum_cnt(xv, srcadj, edge_index, zrow, zcnt, ones)
    h = _tc1(x, P1, Cn, W1, b1.reshape(1, H))

    P2 = _seg_sum(h.reshape(2 * N, DH), srcadj, edge_index, zrow)
    P2 = P2[0] if isinstance(P2, (list, tuple)) else P2

    return _tc2(h, P2, Cn, W2, b2.reshape(1, H), Wl1, bl1.reshape(1, H),
                Wl2, bl2.reshape(1, C))

# --- scband reference (transcript-rebuilt; emitter-appended) ---
"""Pipeline reference for scband-gcn-classification-weighted-69578470195571 (READ-ONLY COPY).

The authoritative reference and input builder live on the scoring server;
editing this copy changes nothing except your own understanding.
"""

import jax, jax.numpy as jnp
import numpy as np

N = 10000
E = 320000
D = 128
H = 128
C = 2


def setup_inputs(seed: int = 0) -> dict:
    key = jax.random.key(seed)
    ks = jax.random.split(key, 12)
    x = jax.random.normal(ks[0], (N, D), dtype=jnp.float32)
    edge_index = jax.random.randint(ks[1], (2, E), 0, N, dtype=jnp.int32)
    # SAGEConvCat lin_l: Linear(in*2, out). Store as (in*2, out) for x @ W.
    W1 = jax.random.normal(ks[2], (2 * D, H), dtype=jnp.float32) * 0.05
    b1 = jnp.zeros((H,), dtype=jnp.float32)
    W2 = jax.random.normal(ks[3], (2 * H, H), dtype=jnp.float32) * 0.05
    b2 = jnp.zeros((H,), dtype=jnp.float32)
    Wl1 = jax.random.normal(ks[4], (H, H), dtype=jnp.float32) * 0.05
    bl1 = jnp.zeros((H,), dtype=jnp.float32)
    Wl2 = jax.random.normal(ks[5], (H, C), dtype=jnp.float32) * 0.05
    bl2 = jnp.zeros((C,), dtype=jnp.float32)
    return {"x": x, "edge_index": edge_index, "W1": W1, "b1": b1, "W2": W2, "b2": b2,
            "Wl1": Wl1, "bl1": bl1, "Wl2": Wl2, "bl2": bl2}


def _sage_conv(x, edge_index, W, b):
    # PyG MessagePassing (source_to_target): edge_index[0]=src(j), edge_index[1]=dst(i)
    src = edge_index[0]
    dst = edge_index[1]
    msgs = jnp.take(x, src, axis=0)                      # gather x_j per edge
    summed = jax.ops.segment_sum(msgs, dst, num_segments=N)
    cnt = jax.ops.segment_sum(jnp.ones((msgs.shape[0], 1), dtype=x.dtype), dst, num_segments=N)
    agg = summed / jnp.clip(cnt, 1.0, None)              # aggr='mean'
    out = jnp.concatenate([x, agg], axis=-1) @ W + b     # cat then lin_l
    return out


def reference(x, edge_index, W1, b1, W2, b2, Wl1, bl1, Wl2, bl2):
    h = jax.nn.relu(_sage_conv(x, edge_index, W1, b1))
    h = jax.nn.relu(_sage_conv(h, edge_index, W2, b2))
    # dropout with training=False -> identity
    s = jax.nn.relu(h @ Wl1 + bl1)
    scores = s @ Wl2 + bl2
    return scores

if __name__ == "__main__":
    import jax
    _d = setup_inputs()
    print(jax.jit(kernel)(*tuple(_d.values())))

</pallas_src>

<mosaic_0001>
#map = affine_map<(d0, d1) -> (0, 0)>
#map1 = affine_map<(d0, d1) -> (0, 0, 0)>
module attributes {stable_mosaic.version = 14 : i64} {
  func.func @body(%arg0: i32, %arg1: i32, %arg2: memref<20000x64xf32, #tpu.memory_space<hbm>>, %arg3: memref<2x320000xi32, #tpu.memory_space<hbm>>, %arg4: memref<2x320000xi32, #tpu.memory_space<hbm>>, %arg5: memref<640x64xf32, #tpu.memory_space<hbm>>, %arg6: memref<640x8xf32, #tpu.memory_space<hbm>>, %arg7: memref<200x8xf32, #tpu.memory_space<hbm>>, %arg8: memref<2x10240x64xf32, #tpu.memory_space<hbm>>, %arg9: memref<2x10240x8xf32, #tpu.memory_space<hbm>>, %arg10: memref<10240x64xf32, #tpu.memory_space<vmem_shared>>, %arg11: memref<10240x8xf32, #tpu.memory_space<vmem_shared>>, %arg12: memref<20000xi32, #tpu.memory_space<vmem>>, %arg13: memref<20000xi32, #tpu.memory_space<vmem>>, %arg14: memref<200x64xf32, #tpu.memory_space<vmem>>, %arg15: memref<200x64xf32, #tpu.memory_space<vmem>>, %arg16: memref<200x8xf32, #tpu.memory_space<vmem>>, %arg17: memref<!tpu.dma_semaphore, #tpu.memory_space<semaphore_mem>>, %arg18: memref<!tpu.dma_semaphore, #tpu.memory_space<semaphore_mem>>, %arg19: memref<!tpu.dma_semaphore, #tpu.memory_space<semaphore_mem>>, %arg20: memref<!tpu.dma_semaphore, #tpu.memory_space<semaphore_mem>>) attributes {dimension_semantics = [#tpu.dimension_semantics<core_parallel>, #tpu.dimension_semantics<subcore_parallel>], iteration_bounds = array<i64: 2, 16>, scalar_prefetch = 0 : i64, scratch_operands = 11 : i64, tpu.core_type = #tpu.core_type<sc_vector_subcore>, window_params = [{transform_indices = #map}, {transform_indices = #map}, {transform_indices = #map}, {transform_indices = #map}, {transform_indices = #map}, {transform_indices = #map}, {transform_indices = #map1}, {transform_indices = #map1}]} {
    %mul3A = arith.constant 640 : i32
    %mul3A_0 = arith.muli %arg1, %mul3A : i32
    "tpu.region"() ({
      %run_scoped3A_28 = tpu.sem_alloc : memref<!tpu.dma_semaphore, #tpu.memory_space<semaphore_mem>>
      %dma_start3A_29 = arith.constant 0 : i32
      %dma_start3A_30 = tpu.memref_slice %arg10[%mul3A_0, %dma_start3A_29] : memref<10240x64xf32, #tpu.memory_space<vmem_shared>> -> memref<640x64xf32, #tpu.memory_space<vmem_shared>>
      tpu.enqueue_dma source(%arg5 : memref<640x64xf32, #tpu.memory_space<hbm>>) target(%dma_start3A_30 : memref<640x64xf32, #tpu.memory_space<vmem_shared>>) target_semaphore(%run_scoped3A_28 : memref<!tpu.dma_semaphore, #tpu.memory_space<semaphore_mem>>)
      %dma_wait3A = arith.constant 0 : i32
      %dma_wait3A_31 = tpu.memref_slice %arg10[%mul3A_0, %dma_wait3A] : memref<10240x64xf32, #tpu.memory_space<vmem_shared>> -> memref<640x64xf32, #tpu.memory_space<vmem_shared>>
      tpu.wait_dma2 semaphore(%run_scoped3A_28 : memref<!tpu.dma_semaphore, #tpu.memory_space<semaphore_mem>>) src(%arg5 : memref<640x64xf32, #tpu.memory_space<hbm>>) dst(%dma_wait3A_31 : memref<640x64xf32, #tpu.memory_space<vmem_shared>>)
      tpu.yield
    }) : () -> ()
    %mul3A_1 = arith.constant 640 : i32
    %mul3A_2 = arith.muli %arg1, %mul3A_1 : i32
    "tpu.region"() ({
      %run_scoped3A_28 = tpu.sem_alloc : memref<!tpu.dma_semaphore, #tpu.memory_space<semaphore_mem>>
      %dma_start3A_29 = arith.constant 0 : i32
      %dma_start3A_30 = tpu.memref_slice %arg11[%mul3A_2, %dma_start3A_29] : memref<10240x8xf32, #tpu.memory_space<vmem_shared>> -> memref<640x8xf32, #tpu.memory_space<vmem_shared>>
      tpu.enqueue_dma source(%arg6 : memref<640x8xf32, #tpu.memory_space<hbm>>) target(%dma_start3A_30 : memref<640x8xf32, #tpu.memory_space<vmem_shared>>) target_semaphore(%run_scoped3A_28 : memref<!tpu.dma_semaphore, #tpu.memory_space<semaphore_mem>>)
      %dma_wait3A = arith.constant 0 : i32
      %dma_wait3A_31 = tpu.memref_slice %arg11[%mul3A_2, %dma_wait3A] : memref<10240x8xf32, #tpu.memory_space<vmem_shared>> -> memref<640x8xf32, #tpu.memory_space<vmem_shared>>
      tpu.wait_dma2 semaphore(%run_scoped3A_28 : memref<!tpu.dma_semaphore, #tpu.memory_space<semaphore_mem>>) src(%arg6 : memref<640x8xf32, #tpu.memory_space<hbm>>) dst(%dma_wait3A_31 : memref<640x8xf32, #tpu.memory_space<vmem_shared>>)
      tpu.yield
    }) : () -> ()
    "tpu.region"() ({
      %run_scoped3A_28 = tpu.sem_alloc : memref<!tpu.dma_semaphore, #tpu.memory_space<semaphore_mem>>
      tpu.enqueue_dma source(%arg7 : memref<200x8xf32, #tpu.memory_space<hbm>>) target(%arg16 : memref<200x8xf32, #tpu.memory_space<vmem>>) target_semaphore(%run_scoped3A_28 : memref<!tpu.dma_semaphore, #tpu.memory_space<semaphore_mem>>)
      tpu.wait_dma2 semaphore(%run_scoped3A_28 : memref<!tpu.dma_semaphore, #tpu.memory_space<semaphore_mem>>) src(%arg7 : memref<200x8xf32, #tpu.memory_space<hbm>>) dst(%arg16 : memref<200x8xf32, #tpu.memory_space<vmem>>)
      tpu.yield
    }) : () -> ()
    %mul3A_3 = arith.constant 20000 : i32
    %mul3A_4 = arith.muli %arg1, %mul3A_3 : i32
    "tpu.region"() ({
      %run_scoped3A_28 = tpu.sem_alloc : memref<!tpu.dma_semaphore, #tpu.memory_space<semaphore_mem>>
      %dma_start3A_29 = arith.constant 0 : i32
      %dma_start3A_30 = tpu.memref_slice %arg3[%arg0, %dma_start3A_29] : memref<2x320000xi32, #tpu.memory_space<hbm>> -> memref<1x320000xi32, #tpu.memory_space<hbm>>
      %dma_start3A_31 = tpu.memref_squeeze %dma_start3A_30 : memref<1x320000xi32, #tpu.memory_space<hbm>> -> memref<320000xi32, #tpu.memory_space<hbm>>
      %dma_start3A_32 = tpu.memref_slice %dma_start3A_31[%mul3A_4] : memref<320000xi32, #tpu.memory_space<hbm>> -> memref<20000xi32, #tpu.memory_space<hbm>>
      %dma_start3A_33 = arith.constant 0 : i32
      %dma_start3A_34 = tpu.memref_slice %arg3[%arg0, %dma_start3A_33] : memref<2x320000xi32, #tpu.memory_space<hbm>> -> memref<1x320000xi32, #tpu.memory_space<hbm>>
      %dma_start3A_35 = tpu.memref_squeeze %dma_start3A_34 : memref<1x320000xi32, #tpu.memory_space<hbm>> -> memref<320000xi32, #tpu.memory_space<hbm>>
      %dma_start3A_36 = tpu.memref_slice %dma_start3A_35[%mul3A_4] : memref<320000xi32, #tpu.memory_space<hbm>> -> memref<20000xi32, #tpu.memory_space<hbm>>
      tpu.enqueue_dma source(%dma_start3A_36 : memref<20000xi32, #tpu.memory_space<hbm>>) target(%arg12 : memref<20000xi32, #tpu.memory_space<vmem>>) target_semaphore(%run_scoped3A_28 : memref<!tpu.dma_semaphore, #tpu.memory_space<semaphore_mem>>)
      %dma_wait3A = arith.constant 0 : i32
      %dma_wait3A_37 = tpu.memref_slice %arg3[%arg0, %dma_wait3A] : memref<2x320000xi32, #tpu.memory_space<hbm>> -> memref<1x320000xi32, #tpu.memory_space<hbm>>
      %dma_wait3A_38 = tpu.memref_squeeze %dma_wait3A_37 : memref<1x320000xi32, #tpu.memory_space<hbm>> -> memref<320000xi32, #tpu.memory_space<hbm>>
      %dma_wait3A_39 = tpu.memref_slice %dma_wait3A_38[%mul3A_4] : memref<320000xi32, #tpu.memory_space<hbm>> -> memref<20000xi32, #tpu.memory_space<hbm>>
      %dma_wait3A_40 = arith.constant 0 : i32
      %dma_wait3A_41 = tpu.memref_slice %arg3[%arg0, %dma_wait3A_40] : memref<2x320000xi32, #tpu.memory_space<hbm>> -> memref<1x320000xi32, #tpu.memory_space<hbm>>
      %dma_wait3A_42 = tpu.memref_squeeze %dma_wait3A_41 : memref<1x320000xi32, #tpu.memory_space<hbm>> -> memref<320000xi32, #tpu.memory_space<hbm>>
      %dma_wait3A_43 = tpu.memref_slice %dma_wait3A_42[%mul3A_4] : memref<320000xi32, #tpu.memory_space<hbm>> -> memref<20000xi32, #tpu.memory_space<hbm>>
      tpu.wait_dma2 semaphore(%run_scoped3A_28 : memref<!tpu.dma_semaphore, #tpu.memory_space<semaphore_mem>>) src(%dma_wait3A_43 : memref<20000xi32, #tpu.memory_space<hbm>>) dst(%arg12 : memref<20000xi32, #tpu.memory_space<vmem>>)
      tpu.yield
    }) : () -> ()
    %run_scoped3A = arith.constant 1 : i32
    "tpu.region"() ({
      %run_scoped3A_28 = tpu.sem_alloc : memref<!tpu.dma_semaphore, #tpu.memory_space<semaphore_mem>>
      %dma_start3A_29 = arith.constant 0 : i32
      %dma_start3A_30 = tpu.memref_slice %arg4[%run_scoped3A, %dma_start3A_29] : memref<2x320000xi32, #tpu.memory_space<hbm>> -> memref<1x320000xi32, #tpu.memory_space<hbm>>
      %dma_start3A_31 = tpu.memref_squeeze %dma_start3A_30 : memref<1x320000xi32, #tpu.memory_space<hbm>> -> memref<320000xi32, #tpu.memory_space<hbm>>
      %dma_start3A_32 = tpu.memref_slice %dma_start3A_31[%mul3A_4] : memref<320000xi32, #tpu.memory_space<hbm>> -> memref<20000xi32, #tpu.memory_space<hbm>>
      %dma_start3A_33 = arith.constant 0 : i32
      %dma_start3A_34 = tpu.memref_slice %arg4[%run_scoped3A, %dma_start3A_33] : memref<2x320000xi32, #tpu.memory_space<hbm>> -> memref<1x320000xi32, #tpu.memory_space<hbm>>
      %dma_start3A_35 = tpu.memref_squeeze %dma_start3A_34 : memref<1x320000xi32, #tpu.memory_space<hbm>> -> memref<320000xi32, #tpu.memory_space<hbm>>
      %dma_start3A_36 = tpu.memref_slice %dma_start3A_35[%mul3A_4] : memref<320000xi32, #tpu.memory_space<hbm>> -> memref<20000xi32, #tpu.memory_space<hbm>>
      tpu.enqueue_dma source(%dma_start3A_36 : memref<20000xi32, #tpu.memory_space<hbm>>) target(%arg13 : memref<20000xi32, #tpu.memory_space<vmem>>) target_semaphore(%run_scoped3A_28 : memref<!tpu.dma_semaphore, #tpu.memory_space<semaphore_mem>>)
      %dma_wait3A = arith.constant 0 : i32
      %dma_wait3A_37 = tpu.memref_slice %arg4[%run_scoped3A, %dma_wait3A] : memref<2x320000xi32, #tpu.memory_space<hbm>> -> memref<1x320000xi32, #tpu.memory_space<hbm>>
      %dma_wait3A_38 = tpu.memref_squeeze %dma_wait3A_37 : memref<1x320000xi32, #tpu.memory_space<hbm>> -> memref<320000xi32, #tpu.memory_space<hbm>>
      %dma_wait3A_39 = tpu.memref_slice %dma_wait3A_38[%mul3A_4] : memref<320000xi32, #tpu.memory_space<hbm>> -> memref<20000xi32, #tpu.memory_space<hbm>>
      %dma_wait3A_40 = arith.constant 0 : i32
      %dma_wait3A_41 = tpu.memref_slice %arg4[%run_scoped3A, %dma_wait3A_40] : memref<2x320000xi32, #tpu.memory_space<hbm>> -> memref<1x320000xi32, #tpu.memory_space<hbm>>
      %dma_wait3A_42 = tpu.memref_squeeze %dma_wait3A_41 : memref<1x320000xi32, #tpu.memory_space<hbm>> -> memref<320000xi32, #tpu.memory_space<hbm>>
      %dma_wait3A_43 = tpu.memref_slice %dma_wait3A_42[%mul3A_4] : memref<320000xi32, #tpu.memory_space<hbm>> -> memref<20000xi32, #tpu.memory_space<hbm>>
      tpu.wait_dma2 semaphore(%run_scoped3A_28 : memref<!tpu.dma_semaphore, #tpu.memory_space<semaphore_mem>>) src(%dma_wait3A_43 : memref<20000xi32, #tpu.memory_space<hbm>>) dst(%arg13 : memref<20000xi32, #tpu.memory_space<vmem>>)
      tpu.yield
    }) : () -> ()
    %barrier3A = arith.constant 0 : index
    tpu.barrier barrier_id(%barrier3A)
    %dma_start3A = arith.constant 0 : i32
    %dma_start3A_5 = tpu.memref_slice %arg12[%dma_start3A] : memref<20000xi32, #tpu.memory_space<vmem>> -> memref<200xi32, #tpu.memory_space<vmem>>
    %dma_start3A_6 = arith.constant 0 : i32
    %dma_start3A_7 = arith.constant 0 : i32
    %dma_start3A_8 = tpu.memref_slice %arg2[%dma_start3A_6, %dma_start3A_7] : memref<20000x64xf32, #tpu.memory_space<hbm>> -> memref<20000x64xf32, #tpu.memory_space<hbm>>
    tpu.enqueue_indirect_dma source(%dma_start3A_8 : memref<20000x64xf32, #tpu.memory_space<hbm>>) target(%arg14 : memref<200x64xf32, #tpu.memory_space<vmem>>) offsets(%dma_start3A_5 : memref<200xi32, #tpu.memory_space<vmem>>) semaphore(%arg17 : memref<!tpu.dma_semaphore, #tpu.memory_space<semaphore_mem>>)
    %dma_start3A_9 = arith.constant 200 : i32
    %dma_start3A_10 = tpu.memref_slice %arg12[%dma_start3A_9] : memref<20000xi32, #tpu.memory_space<vmem>> -> memref<200xi32, #tpu.memory_space<vmem>>
    %dma_start3A_11 = arith.constant 0 : i32
    %dma_start3A_12 = arith.constant 0 : i32
    %dma_start3A_13 = tpu.memref_slice %arg2[%dma_start3A_11, %dma_start3A_12] : memref<20000x64xf32, #tpu.memory_space<hbm>> -> memref<20000x64xf32, #tpu.memory_space<hbm>>
    tpu.enqueue_indirect_dma source(%dma_start3A_13 : memref<20000x64xf32, #tpu.memory_space<hbm>>) target(%arg15 : memref<200x64xf32, #tpu.memory_space<vmem>>) offsets(%dma_start3A_10 : memref<200xi32, #tpu.memory_space<vmem>>) semaphore(%arg18 : memref<!tpu.dma_semaphore, #tpu.memory_space<semaphore_mem>>)
    %scan3A = arith.constant 0 : i32
    %scan3A_14 = arith.constant 0 : i32
    %scan3A_15 = arith.constant 50 : i32
    %scan3A_16 = arith.addi %scan3A_14, %scan3A_15 : i32
    %scan3A_17 = arith.constant 1 : i32
    scf.for %scan3A_28 = %scan3A_14 to %scan3A_16 step %scan3A_17  : i32 {
      %mul3A_29 = arith.constant 2 : i32
      %mul3A_30 = arith.muli %mul3A_29, %scan3A_28 : i32
      %mul3A_31 = arith.constant 200 : i32
      %mul3A_32 = arith.muli %mul3A_30, %mul3A_31 : i32
      %dma_wait3A = tpu.memref_slice %arg12[%mul3A_32] : memref<20000xi32, #tpu.memory_space<vmem>> -> memref<200xi32, #tpu.memory_space<vmem>>
      %dma_wait3A_33 = arith.constant 0 : i32
      %dma_wait3A_34 = arith.constant 0 : i32
      %dma_wait3A_35 = tpu.memref_slice %arg2[%dma_wait3A_33, %dma_wait3A_34] : memref<20000x64xf32, #tpu.memory_space<hbm>> -> memref<20000x64xf32, #tpu.memory_space<hbm>>
      tpu.wait_indirect_dma semaphore(%arg17 : memref<!tpu.dma_semaphore, #tpu.memory_space<semaphore_mem>>) src(%dma_wait3A_35 : memref<20000x64xf32, #tpu.memory_space<hbm>>) dst(%arg14 : memref<200x64xf32, #tpu.memory_space<vmem>>)
      %mul3A_36 = arith.constant 200 : i32
      %mul3A_37 = arith.muli %mul3A_30, %mul3A_36 : i32
      "tpu.region"() ({
        %run_scoped3A_60 = tpu.sem_alloc : memref<!tpu.dma_semaphore, #tpu.memory_space<semaphore_mem>>
        %dma_start3A_61 = tpu.memref_slice %arg13[%mul3A_37] : memref<20000xi32, #tpu.memory_space<vmem>> -> memref<200xi32, #tpu.memory_space<vmem>>
        %dma_start3A_62 = arith.constant 0 : i32
        %dma_start3A_63 = arith.constant 0 : i32
        %dma_start3A_64 = tpu.memref_slice %arg10[%dma_start3A_62, %dma_start3A_63] : memref<10240x64xf32, #tpu.memory_space<vmem_shared>> -> memref<10240x64xf32, #tpu.memory_space<vmem_shared>>
        tpu.enqueue_indirect_dma source(%arg14 : memref<200x64xf32, #tpu.memory_space<vmem>>) target(%dma_start3A_64 : memref<10240x64xf32, #tpu.memory_space<vmem_shared>>) offsets(%dma_start3A_61 : memref<200xi32, #tpu.memory_space<vmem>>) semaphore(%run_scoped3A_60 : memref<!tpu.dma_semaphore, #tpu.memory_space<semaphore_mem>>) {add = true}
        %dma_wait3A_65 = tpu.memref_slice %arg13[%mul3A_37] : memref<20000xi32, #tpu.memory_space<vmem>> -> memref<200xi32, #tpu.memory_space<vmem>>
        %dma_wait3A_66 = arith.constant 0 : i32
        %dma_wait3A_67 = arith.constant 0 : i32
        %dma_wait3A_68 = tpu.memref_slice %arg10[%dma_wait3A_66, %dma_wait3A_67] : memref<10240x64xf32, #tpu.memory_space<vmem_shared>> -> memref<10240x64xf32, #tpu.memory_space<vmem_shared>>
        tpu.wait_indirect_dma semaphore(%run_scoped3A_60 : memref<!tpu.dma_semaphore, #tpu.memory_space<semaphore_mem>>) src(%arg14 : memref<200x64xf32, #tpu.memory_space<vmem>>) dst(%dma_wait3A_68 : memref<10240x64xf32, #tpu.memory_space<vmem_shared>>)
        tpu.yield
      }) : () -> ()
      "tpu.region"() ({
        %run_scoped3A_60 = tpu.sem_alloc : memref<!tpu.dma_semaphore, #tpu.memory_space<semaphore_mem>>
        %dma_start3A_61 = tpu.memref_slice %arg13[%mul3A_37] : memref<20000xi32, #tpu.memory_space<vmem>> -> memref<200xi32, #tpu.memory_space<vmem>>
        %dma_start3A_62 = arith.constant 0 : i32
        %dma_start3A_63 = arith.constant 0 : i32
        %dma_start3A_64 = tpu.memref_slice %arg11[%dma_start3A_62, %dma_start3A_63] : memref<10240x8xf32, #tpu.memory_space<vmem_shared>> -> memref<10240x8xf32, #tpu.memory_space<vmem_shared>>
        tpu.enqueue_indirect_dma source(%arg16 : memref<200x8xf32, #tpu.memory_space<vmem>>) target(%dma_start3A_64 : memref<10240x8xf32, #tpu.memory_space<vmem_shared>>) offsets(%dma_start3A_61 : memref<200xi32, #tpu.memory_space<vmem>>) semaphore(%run_scoped3A_60 : memref<!tpu.dma_semaphore, #tpu.memory_space<semaphore_mem>>) {add = true}
        %dma_wait3A_65 = tpu.memref_slice %arg13[%mul3A_37] : memref<20000xi32, #tpu.memory_space<vmem>> -> memref<200xi32, #tpu.memory_space<vmem>>
        %dma_wait3A_66 = arith.constant 0 : i32
        %dma_wait3A_67 = arith.constant 0 : i32
        %dma_wait3A_68 = tpu.memref_slice %arg11[%dma_wait3A_66, %dma_wait3A_67] : memref<10240x8xf32, #tpu.memory_space<vmem_shared>> -> memref<10240x8xf32, #tpu.memory_space<vmem_shared>>
        tpu.wait_indirect_dma semaphore(%run_scoped3A_60 : memref<!tpu.dma_semaphore, #tpu.memory_space<semaphore_mem>>) src(%arg16 : memref<200x8xf32, #tpu.memory_space<vmem>>) dst(%dma_wait3A_68 : memref<10240x8xf32, #tpu.memory_space<vmem_shared>>)
        tpu.yield
      }) : () -> ()
      %add3A = arith.constant 1 : i32
      %add3A_38 = arith.addi %scan3A_28, %add3A : i32
      %lt3A = arith.constant 50 : i32
      %lt3A_39 = arith.cmpi slt, %add3A_38, %lt3A : i32
      %convert_element_type3A = arith.extui %lt3A_39 : i1 to i32
      %cond3A = arith.constant 0 : i32
      %cond3A_40 = arith.cmpi ne, %convert_element_type3A, %cond3A : i32
      scf.if %cond3A_40 {
        %add3A_60 = arith.constant 2 : i32
        %add3A_61 = arith.addi %mul3A_30, %add3A_60 : i32
        %mul3A_62 = arith.constant 200 : i32
        %mul3A_63 = arith.muli %add3A_61, %mul3A_62 : i32
        %dma_start3A_64 = tpu.memref_slice %arg12[%mul3A_63] : memref<20000xi32, #tpu.memory_space<vmem>> -> memref<200xi32, #tpu.memory_space<vmem>>
        %dma_start3A_65 = arith.constant 0 : i32
        %dma_start3A_66 = arith.constant 0 : i32
        %dma_start3A_67 = tpu.memref_slice %arg2[%dma_start3A_65, %dma_start3A_66] : memref<20000x64xf32, #tpu.memory_space<hbm>> -> memref<20000x64xf32, #tpu.memory_space<hbm>>
        tpu.enqueue_indirect_dma source(%dma_start3A_67 : memref<20000x64xf32, #tpu.memory_space<hbm>>) target(%arg14 : memref<200x64xf32, #tpu.memory_space<vmem>>) offsets(%dma_start3A_64 : memref<200xi32, #tpu.memory_space<vmem>>) semaphore(%arg17 : memref<!tpu.dma_semaphore, #tpu.memory_space<semaphore_mem>>)
      } else {
      }
      %add3A_41 = arith.constant 1 : i32
      %add3A_42 = arith.addi %mul3A_30, %add3A_41 : i32
      %mul3A_43 = arith.constant 200 : i32
      %mul3A_44 = arith.muli %add3A_42, %mul3A_43 : i32
      %dma_wait3A_45 = tpu.memref_slice %arg12[%mul3A_44] : memref<20000xi32, #tpu.memory_space<vmem>> -> memref<200xi32, #tpu.memory_space<vmem>>
      %dma_wait3A_46 = arith.constant 0 : i32
      %dma_wait3A_47 = arith.constant 0 : i32
      %dma_wait3A_48 = tpu.memref_slice %arg2[%dma_wait3A_46, %dma_wait3A_47] : memref<20000x64xf32, #tpu.memory_space<hbm>> -> memref<20000x64xf32, #tpu.memory_space<hbm>>
      tpu.wait_indirect_dma semaphore(%arg18 : memref<!tpu.dma_semaphore, #tpu.memory_space<semaphore_mem>>) src(%dma_wait3A_48 : memref<20000x64xf32, #tpu.memory_space<hbm>>) dst(%arg15 : memref<200x64xf32, #tpu.memory_space<vmem>>)
      %add3A_49 = arith.constant 1 : i32
      %add3A_50 = arith.addi %mul3A_30, %add3A_49 : i32
      %mul3A_51 = arith.constant 200 : i32
      %mul3A_52 = arith.muli %add3A_50, %mul3A_51 : i32
      "tpu.region"() ({
        %run_scoped3A_60 = tpu.sem_alloc : memref<!tpu.dma_semaphore, #tpu.memory_space<semaphore_mem>>
        %dma_start3A_61 = tpu.memref_slice %arg13[%mul3A_52] : memref<20000xi32, #tpu.memory_space<vmem>> -> memref<200xi32, #tpu.memory_space<vmem>>
        %dma_start3A_62 = arith.constant 0 : i32
        %dma_start3A_63 = arith.constant 0 : i32
        %dma_start3A_64 = tpu.memref_slice %arg10[%dma_start3A_62, %dma_start3A_63] : memref<10240x64xf32, #tpu.memory_space<vmem_shared>> -> memref<10240x64xf32, #tpu.memory_space<vmem_shared>>
        tpu.enqueue_indirect_dma source(%arg15 : memref<200x64xf32, #tpu.memory_space<vmem>>) target(%dma_start3A_64 : memref<10240x64xf32, #tpu.memory_space<vmem_shared>>) offsets(%dma_start3A_61 : memref<200xi32, #tpu.memory_space<vmem>>) semaphore(%run_scoped3A_60 : memref<!tpu.dma_semaphore, #tpu.memory_space<semaphore_mem>>) {add = true}
        %dma_wait3A_65 = tpu.memref_slice %arg13[%mul3A_52] : memref<20000xi32, #tpu.memory_space<vmem>> -> memref<200xi32, #tpu.memory_space<vmem>>
        %dma_wait3A_66 = arith.constant 0 : i32
        %dma_wait3A_67 = arith.constant 0 : i32
        %dma_wait3A_68 = tpu.memref_slice %arg10[%dma_wait3A_66, %dma_wait3A_67] : memref<10240x64xf32, #tpu.memory_space<vmem_shared>> -> memref<10240x64xf32, #tpu.memory_space<vmem_shared>>
        tpu.wait_indirect_dma semaphore(%run_scoped3A_60 : memref<!tpu.dma_semaphore, #tpu.memory_space<semaphore_mem>>) src(%arg15 : memref<200x64xf32, #tpu.memory_space<vmem>>) dst(%dma_wait3A_68 : memref<10240x64xf32, #tpu.memory_space<vmem_shared>>)
        tpu.yield
      }) : () -> ()
      "tpu.region"() ({
        %run_scoped3A_60 = tpu.sem_alloc : memref<!tpu.dma_semaphore, #tpu.memory_space<semaphore_mem>>
        %dma_start3A_61 = tpu.memref_slice %arg13[%mul3A_52] : memref<20000xi32, #tpu.memory_space<vmem>> -> memref<200xi32, #tpu.memory_space<vmem>>
        %dma_start3A_62 = arith.constant 0 : i32
        %dma_start3A_63 = arith.constant 0 : i32
        %dma_start3A_64 = tpu.memref_slice %arg11[%dma_start3A_62, %dma_start3A_63] : memref<10240x8xf32, #tpu.memory_space<vmem_shared>> -> memref<10240x8xf32, #tpu.memory_space<vmem_shared>>
        tpu.enqueue_indirect_dma source(%arg16 : memref<200x8xf32, #tpu.memory_space<vmem>>) target(%dma_start3A_64 : memref<10240x8xf32, #tpu.memory_space<vmem_shared>>) offsets(%dma_start3A_61 : memref<200xi32, #tpu.memory_space<vmem>>) semaphore(%run_scoped3A_60 : memref<!tpu.dma_semaphore, #tpu.memory_space<semaphore_mem>>) {add = true}
        %dma_wait3A_65 = tpu.memref_slice %arg13[%mul3A_52] : memref<20000xi32, #tpu.memory_space<vmem>> -> memref<200xi32, #tpu.memory_space<vmem>>
        %dma_wait3A_66 = arith.constant 0 : i32
        %dma_wait3A_67 = arith.constant 0 : i32
        %dma_wait3A_68 = tpu.memref_slice %arg11[%dma_wait3A_66, %dma_wait3A_67] : memref<10240x8xf32, #tpu.memory_space<vmem_shared>> -> memref<10240x8xf32, #tpu.memory_space<vmem_shared>>
        tpu.wait_indirect_dma semaphore(%run_scoped3A_60 : memref<!tpu.dma_semaphore, #tpu.memory_space<semaphore_mem>>) src(%arg16 : memref<200x8xf32, #tpu.memory_space<vmem>>) dst(%dma_wait3A_68 : memref<10240x8xf32, #tpu.memory_space<vmem_shared>>)
        tpu.yield
      }) : () -> ()
      %add3A_53 = arith.constant 1 : i32
      %add3A_54 = arith.addi %scan3A_28, %add3A_53 : i32
      %lt3A_55 = arith.constant 50 : i32
      %lt3A_56 = arith.cmpi slt, %add3A_54, %lt3A_55 : i32
      %convert_element_type3A_57 = arith.extui %lt3A_56 : i1 to i32
      %cond3A_58 = arith.constant 0 : i32
      %cond3A_59 = arith.cmpi ne, %convert_element_type3A_57, %cond3A_58 : i32
      scf.if %cond3A_59 {
        %add3A_60 = arith.constant 3 : i32
        %add3A_61 = arith.addi %mul3A_30, %add3A_60 : i32
        %mul3A_62 = arith.constant 200 : i32
        %mul3A_63 = arith.muli %add3A_61, %mul3A_62 : i32
        %dma_start3A_64 = tpu.memref_slice %arg12[%mul3A_63] : memref<20000xi32, #tpu.memory_space<vmem>> -> memref<200xi32, #tpu.memory_space<vmem>>
        %dma_start3A_65 = arith.constant 0 : i32
        %dma_start3A_66 = arith.constant 0 : i32
        %dma_start3A_67 = tpu.memref_slice %arg2[%dma_start3A_65, %dma_start3A_66] : memref<20000x64xf32, #tpu.memory_space<hbm>> -> memref<20000x64xf32, #tpu.memory_space<hbm>>
        tpu.enqueue_indirect_dma source(%dma_start3A_67 : memref<20000x64xf32, #tpu.memory_space<hbm>>) target(%arg15 : memref<200x64xf32, #tpu.memory_space<vmem>>) offsets(%dma_start3A_64 : memref<200xi32, #tpu.memory_space<vmem>>) semaphore(%arg18 : memref<!tpu.dma_semaphore, #tpu.memory_space<semaphore_mem>>)
      } else {
      }
    }
    %scan3A_18 = arith.constant 50 : i32
    %barrier3A_19 = arith.constant 0 : index
    tpu.barrier barrier_id(%barrier3A_19)
    %mul3A_20 = arith.constant 640 : i32
    %mul3A_21 = arith.muli %arg1, %mul3A_20 : i32
    %mul3A_22 = arith.constant 640 : i32
    %mul3A_23 = arith.muli %arg1, %mul3A_22 : i32
    "tpu.region"() ({
      %run_scoped3A_28 = tpu.sem_alloc : memref<!tpu.dma_semaphore, #tpu.memory_space<semaphore_mem>>
      %dma_start3A_29 = arith.constant 0 : i32
      %dma_start3A_30 = tpu.memref_slice %arg8[%arg0, %mul3A_23, %dma_start3A_29] : memref<2x10240x64xf32, #tpu.memory_space<hbm>> -> memref<1x640x64xf32, #tpu.memory_space<hbm>>
      %dma_start3A_31 = tpu.memref_squeeze %dma_start3A_30 : memref<1x640x64xf32, #tpu.memory_space<hbm>> -> memref<640x64xf32, #tpu.memory_space<hbm>>
      %dma_start3A_32 = arith.constant 0 : i32
      %dma_start3A_33 = tpu.memref_slice %arg10[%mul3A_21, %dma_start3A_32] : memref<10240x64xf32, #tpu.memory_space<vmem_shared>> -> memref<640x64xf32, #tpu.memory_space<vmem_shared>>
      tpu.enqueue_dma source(%dma_start3A_33 : memref<640x64xf32, #tpu.memory_space<vmem_shared>>) target(%dma_start3A_31 : memref<640x64xf32, #tpu.memory_space<hbm>>) target_semaphore(%run_scoped3A_28 : memref<!tpu.dma_semaphore, #tpu.memory_space<semaphore_mem>>)
      %dma_wait3A = arith.constant 0 : i32
      %dma_wait3A_34 = tpu.memref_slice %arg8[%arg0, %mul3A_23, %dma_wait3A] : memref<2x10240x64xf32, #tpu.memory_space<hbm>> -> memref<1x640x64xf32, #tpu.memory_space<hbm>>
      %dma_wait3A_35 = tpu.memref_squeeze %dma_wait3A_34 : memref<1x640x64xf32, #tpu.memory_space<hbm>> -> memref<640x64xf32, #tpu.memory_space<hbm>>
      %dma_wait3A_36 = arith.constant 0 : i32
      %dma_wait3A_37 = tpu.memref_slice %arg10[%mul3A_21, %dma_wait3A_36] : memref<10240x64xf32, #tpu.memory_space<vmem_shared>> -> memref<640x64xf32, #tpu.memory_space<vmem_shared>>
      tpu.wait_dma2 semaphore(%run_scoped3A_28 : memref<!tpu.dma_semaphore, #tpu.memory_space<semaphore_mem>>) src(%dma_wait3A_37 : memref<640x64xf32, #tpu.memory_space<vmem_shared>>) dst(%dma_wait3A_35 : memref<640x64xf32, #tpu.memory_space<hbm>>)
      tpu.yield
    }) : () -> ()
    %mul3A_24 = arith.constant 640 : i32
    %mul3A_25 = arith.muli %arg1, %mul3A_24 : i32
    %mul3A_26 = arith.constant 640 : i32
    %mul3A_27 = arith.muli %arg1, %mul3A_26 : i32
    "tpu.region"() ({
      %run_scoped3A_28 = tpu.sem_alloc : memref<!tpu.dma_semaphore, #tpu.memory_space<semaphore_mem>>
      %dma_start3A_29 = arith.constant 0 : i32
      %dma_start3A_30 = tpu.memref_slice %arg9[%arg0, %mul3A_27, %dma_start3A_29] : memref<2x10240x8xf32, #tpu.memory_space<hbm>> -> memref<1x640x8xf32, #tpu.memory_space<hbm>>
      %dma_start3A_31 = tpu.memref_squeeze %dma_start3A_30 : memref<1x640x8xf32, #tpu.memory_space<hbm>> -> memref<640x8xf32, #tpu.memory_space<hbm>>
      %dma_start3A_32 = arith.constant 0 : i32
      %dma_start3A_33 = tpu.memref_slice %arg11[%mul3A_25, %dma_start3A_32] : memref<10240x8xf32, #tpu.memory_space<vmem_shared>> -> memref<640x8xf32, #tpu.memory_space<vmem_shared>>
      tpu.enqueue_dma source(%dma_start3A_33 : memref<640x8xf32, #tpu.memory_space<vmem_shared>>) target(%dma_start3A_31 : memref<640x8xf32, #tpu.memory_space<hbm>>) target_semaphore(%run_scoped3A_28 : memref<!tpu.dma_semaphore, #tpu.memory_space<semaphore_mem>>)
      %dma_wait3A = arith.constant 0 : i32
      %dma_wait3A_34 = tpu.memref_slice %arg9[%arg0, %mul3A_27, %dma_wait3A] : memref<2x10240x8xf32, #tpu.memory_space<hbm>> -> memref<1x640x8xf32, #tpu.memory_space<hbm>>
      %dma_wait3A_35 = tpu.memref_squeeze %dma_wait3A_34 : memref<1x640x8xf32, #tpu.memory_space<hbm>> -> memref<640x8xf32, #tpu.memory_space<hbm>>
      %dma_wait3A_36 = arith.constant 0 : i32
      %dma_wait3A_37 = tpu.memref_slice %arg11[%mul3A_25, %dma_wait3A_36] : memref<10240x8xf32, #tpu.memory_space<vmem_shared>> -> memref<640x8xf32, #tpu.memory_space<vmem_shared>>
      tpu.wait_dma2 semaphore(%run_scoped3A_28 : memref<!tpu.dma_semaphore, #tpu.memory_space<semaphore_mem>>) src(%dma_wait3A_37 : memref<640x8xf32, #tpu.memory_space<vmem_shared>>) dst(%dma_wait3A_35 : memref<640x8xf32, #tpu.memory_space<hbm>>)
      tpu.yield
    }) : () -> ()
    return
  }
}

#map = affine_map<(d0, d1) -> (0, 0)>
#map1 = affine_map<(d0, d1) -> (0, 0, 0)>
module attributes {stable_mosaic.version = 14 : i64} {
  func.func @body(%arg0: i32, %arg1: i32, %arg2: memref<20000x64xf32, #tpu.memory_space<hbm>>, %arg3: memref<2x320000xi32, #tpu.memory_space<hbm>>, %arg4: memref<2x320000xi32, #tpu.memory_space<hbm>>, %arg5: memref<640x64xf32, #tpu.memory_space<hbm>>, %arg6: memref<2x10240x64xf32, #tpu.memory_space<hbm>>, %arg7: memref<10240x64xf32, #tpu.memory_space<vmem_shared>>, %arg8: memref<20000xi32, #tpu.memory_space<vmem>>, %arg9: memref<20000xi32, #tpu.memory_space<vmem>>, %arg10: memref<200x64xf32, #tpu.memory_space<vmem>>, %arg11: memref<200x64xf32, #tpu.memory_space<vmem>>, %arg12: memref<!tpu.dma_semaphore, #tpu.memory_space<semaphore_mem>>, %arg13: memref<!tpu.dma_semaphore, #tpu.memory_space<semaphore_mem>>, %arg14: memref<!tpu.dma_semaphore, #tpu.memory_space<semaphore_mem>>, %arg15: memref<!tpu.dma_semaphore, #tpu.memory_space<semaphore_mem>>) attributes {dimension_semantics = [#tpu.dimension_semantics<core_parallel>, #tpu.dimension_semantics<subcore_parallel>], iteration_bounds = array<i64: 2, 16>, scalar_prefetch = 0 : i64, scratch_operands = 9 : i64, tpu.core_type = #tpu.core_type<sc_vector_subcore>, window_params = [{transform_indices = #map}, {transform_indices = #map}, {transform_indices = #map}, {transform_indices = #map}, {transform_indices = #map1}]} {
    %mul3A = arith.constant 640 : i32
    %mul3A_0 = arith.muli %arg1, %mul3A : i32
    "tpu.region"() ({
      %run_scoped3A_22 = tpu.sem_alloc : memref<!tpu.dma_semaphore, #tpu.memory_space<semaphore_mem>>
      %dma_start3A_23 = arith.constant 0 : i32
      %dma_start3A_24 = tpu.memref_slice %arg7[%mul3A_0, %dma_start3A_23] : memref<10240x64xf32, #tpu.memory_space<vmem_shared>> -> memref<640x64xf32, #tpu.memory_space<vmem_shared>>
      tpu.enqueue_dma source(%arg5 : memref<640x64xf32, #tpu.memory_space<hbm>>) target(%dma_start3A_24 : memref<640x64xf32, #tpu.memory_space<vmem_shared>>) target_semaphore(%run_scoped3A_22 : memref<!tpu.dma_semaphore, #tpu.memory_space<semaphore_mem>>)
      %dma_wait3A = arith.constant 0 : i32
      %dma_wait3A_25 = tpu.memref_slice %arg7[%mul3A_0, %dma_wait3A] : memref<10240x64xf32, #tpu.memory_space<vmem_shared>> -> memref<640x64xf32, #tpu.memory_space<vmem_shared>>
      tpu.wait_dma2 semaphore(%run_scoped3A_22 : memref<!tpu.dma_semaphore, #tpu.memory_space<semaphore_mem>>) src(%arg5 : memref<640x64xf32, #tpu.memory_space<hbm>>) dst(%dma_wait3A_25 : memref<640x64xf32, #tpu.memory_space<vmem_shared>>)
      tpu.yield
    }) : () -> ()
    %mul3A_1 = arith.constant 20000 : i32
    %mul3A_2 = arith.muli %arg1, %mul3A_1 : i32
    "tpu.region"() ({
      %run_scoped3A_22 = tpu.sem_alloc : memref<!tpu.dma_semaphore, #tpu.memory_space<semaphore_mem>>
      %dma_start3A_23 = arith.constant 0 : i32
      %dma_start3A_24 = tpu.memref_slice %arg3[%arg0, %dma_start3A_23] : memref<2x320000xi32, #tpu.memory_space<hbm>> -> memref<1x320000xi32, #tpu.memory_space<hbm>>
      %dma_start3A_25 = tpu.memref_squeeze %dma_start3A_24 : memref<1x320000xi32, #tpu.memory_space<hbm>> -> memref<320000xi32, #tpu.memory_space<hbm>>
      %dma_start3A_26 = tpu.memref_slice %dma_start3A_25[%mul3A_2] : memref<320000xi32, #tpu.memory_space<hbm>> -> memref<20000xi32, #tpu.memory_space<hbm>>
      %dma_start3A_27 = arith.constant 0 : i32
      %dma_start3A_28 = tpu.memref_slice %arg3[%arg0, %dma_start3A_27] : memref<2x320000xi32, #tpu.memory_space<hbm>> -> memref<1x320000xi32, #tpu.memory_space<hbm>>
      %dma_start3A_29 = tpu.memref_squeeze %dma_start3A_28 : memref<1x320000xi32, #tpu.memory_space<hbm>> -> memref<320000xi32, #tpu.memory_space<hbm>>
      %dma_start3A_30 = tpu.memref_slice %dma_start3A_29[%mul3A_2] : memref<320000xi32, #tpu.memory_space<hbm>> -> memref<20000xi32, #tpu.memory_space<hbm>>
      tpu.enqueue_dma source(%dma_start3A_30 : memref<20000xi32, #tpu.memory_space<hbm>>) target(%arg8 : memref<20000xi32, #tpu.memory_space<vmem>>) target_semaphore(%run_scoped3A_22 : memref<!tpu.dma_semaphore, #tpu.memory_space<semaphore_mem>>)
      %dma_wait3A = arith.constant 0 : i32
      %dma_wait3A_31 = tpu.memref_slice %arg3[%arg0, %dma_wait3A] : memref<2x320000xi32, #tpu.memory_space<hbm>> -> memref<1x320000xi32, #tpu.memory_space<hbm>>
      %dma_wait3A_32 = tpu.memref_squeeze %dma_wait3A_31 : memref<1x320000xi32, #tpu.memory_space<hbm>> -> memref<320000xi32, #tpu.memory_space<hbm>>
      %dma_wait3A_33 = tpu.memref_slice %dma_wait3A_32[%mul3A_2] : memref<320000xi32, #tpu.memory_space<hbm>> -> memref<20000xi32, #tpu.memory_space<hbm>>
      %dma_wait3A_34 = arith.constant 0 : i32
      %dma_wait3A_35 = tpu.memref_slice %arg3[%arg0, %dma_wait3A_34] : memref<2x320000xi32, #tpu.memory_space<hbm>> -> memref<1x320000xi32, #tpu.memory_space<hbm>>
      %dma_wait3A_36 = tpu.memref_squeeze %dma_wait3A_35 : memref<1x320000xi32, #tpu.memory_space<hbm>> -> memref<320000xi32, #tpu.memory_space<hbm>>
      %dma_wait3A_37 = tpu.memref_slice %dma_wait3A_36[%mul3A_2] : memref<320000xi32, #tpu.memory_space<hbm>> -> memref<20000xi32, #tpu.memory_space<hbm>>
      tpu.wait_dma2 semaphore(%run_scoped3A_22 : memref<!tpu.dma_semaphore, #tpu.memory_space<semaphore_mem>>) src(%dma_wait3A_37 : memref<20000xi32, #tpu.memory_space<hbm>>) dst(%arg8 : memref<20000xi32, #tpu.memory_space<vmem>>)
      tpu.yield
    }) : () -> ()
    %run_scoped3A = arith.constant 1 : i32
    "tpu.region"() ({
      %run_scoped3A_22 = tpu.sem_alloc : memref<!tpu.dma_semaphore, #tpu.memory_space<semaphore_mem>>
      %dma_start3A_23 = arith.constant 0 : i32
      %dma_start3A_24 = tpu.memref_slice %arg4[%run_scoped3A, %dma_start3A_23] : memref<2x320000xi32, #tpu.memory_space<hbm>> -> memref<1x320000xi32, #tpu.memory_space<hbm>>
      %dma_start3A_25 = tpu.memref_squeeze %dma_start3A_24 : memref<1x320000xi32, #tpu.memory_space<hbm>> -> memref<320000xi32, #tpu.memory_space<hbm>>
      %dma_start3A_26 = tpu.memref_slice %dma_start3A_25[%mul3A_2] : memref<320000xi32, #tpu.memory_space<hbm>> -> memref<20000xi32, #tpu.memory_space<hbm>>
      %dma_start3A_27 = arith.constant 0 : i32
      %dma_start3A_28 = tpu.memref_slice %arg4[%run_scoped3A, %dma_start3A_27] : memref<2x320000xi32, #tpu.memory_space<hbm>> -> memref<1x320000xi32, #tpu.memory_space<hbm>>
      %dma_start3A_29 = tpu.memref_squeeze %dma_start3A_28 : memref<1x320000xi32, #tpu.memory_space<hbm>> -> memref<320000xi32, #tpu.memory_space<hbm>>
      %dma_start3A_30 = tpu.memref_slice %dma_start3A_29[%mul3A_2] : memref<320000xi32, #tpu.memory_space<hbm>> -> memref<20000xi32, #tpu.memory_space<hbm>>
      tpu.enqueue_dma source(%dma_start3A_30 : memref<20000xi32, #tpu.memory_space<hbm>>) target(%arg9 : memref<20000xi32, #tpu.memory_space<vmem>>) target_semaphore(%run_scoped3A_22 : memref<!tpu.dma_semaphore, #tpu.memory_space<semaphore_mem>>)
      %dma_wait3A = arith.constant 0 : i32
      %dma_wait3A_31 = tpu.memref_slice %arg4[%run_scoped3A, %dma_wait3A] : memref<2x320000xi32, #tpu.memory_space<hbm>> -> memref<1x320000xi32, #tpu.memory_space<hbm>>
      %dma_wait3A_32 = tpu.memref_squeeze %dma_wait3A_31 : memref<1x320000xi32, #tpu.memory_space<hbm>> -> memref<320000xi32, #tpu.memory_space<hbm>>
      %dma_wait3A_33 = tpu.memref_slice %dma_wait3A_32[%mul3A_2] : memref<320000xi32, #tpu.memory_space<hbm>> -> memref<20000xi32, #tpu.memory_space<hbm>>
      %dma_wait3A_34 = arith.constant 0 : i32
      %dma_wait3A_35 = tpu.memref_slice %arg4[%run_scoped3A, %dma_wait3A_34] : memref<2x320000xi32, #tpu.memory_space<hbm>> -> memref<1x320000xi32, #tpu.memory_space<hbm>>
      %dma_wait3A_36 = tpu.memref_squeeze %dma_wait3A_35 : memref<1x320000xi32, #tpu.memory_space<hbm>> -> memref<320000xi32, #tpu.memory_space<hbm>>
      %dma_wait3A_37 = tpu.memref_slice %dma_wait3A_36[%mul3A_2] : memref<320000xi32, #tpu.memory_space<hbm>> -> memref<20000xi32, #tpu.memory_space<hbm>>
      tpu.wait_dma2 semaphore(%run_scoped3A_22 : memref<!tpu.dma_semaphore, #tpu.memory_space<semaphore_mem>>) src(%dma_wait3A_37 : memref<20000xi32, #tpu.memory_space<hbm>>) dst(%arg9 : memref<20000xi32, #tpu.memory_space<vmem>>)
      tpu.yield
    }) : () -> ()
    %barrier3A = arith.constant 0 : index
    tpu.barrier barrier_id(%barrier3A)
    %dma_start3A = arith.constant 0 : i32
    %dma_start3A_3 = tpu.memref_slice %arg8[%dma_start3A] : memref<20000xi32, #tpu.memory_space<vmem>> -> memref<200xi32, #tpu.memory_space<vmem>>
    %dma_start3A_4 = arith.constant 0 : i32
    %dma_start3A_5 = arith.constant 0 : i32
    %dma_start3A_6 = tpu.memref_slice %arg2[%dma_start3A_4, %dma_start3A_5] : memref<20000x64xf32, #tpu.memory_space<hbm>> -> memref<20000x64xf32, #tpu.memory_space<hbm>>
    tpu.enqueue_indirect_dma source(%dma_start3A_6 : memref<20000x64xf32, #tpu.memory_space<hbm>>) target(%arg10 : memref<200x64xf32, #tpu.memory_space<vmem>>) offsets(%dma_start3A_3 : memref<200xi32, #tpu.memory_space<vmem>>) semaphore(%arg12 : memref<!tpu.dma_semaphore, #tpu.memory_space<semaphore_mem>>)
    %dma_start3A_7 = arith.constant 200 : i32
    %dma_start3A_8 = tpu.memref_slice %arg8[%dma_start3A_7] : memref<20000xi32, #tpu.memory_space<vmem>> -> memref<200xi32, #tpu.memory_space<vmem>>
    %dma_start3A_9 = arith.constant 0 : i32
    %dma_start3A_10 = arith.constant 0 : i32
    %dma_start3A_11 = tpu.memref_slice %arg2[%dma_start3A_9, %dma_start3A_10] : memref<20000x64xf32, #tpu.memory_space<hbm>> -> memref<20000x64xf32, #tpu.memory_space<hbm>>
    tpu.enqueue_indirect_dma source(%dma_start3A_11 : memref<20000x64xf32, #tpu.memory_space<hbm>>) target(%arg11 : memref<200x64xf32, #tpu.memory_space<vmem>>) offsets(%dma_start3A_8 : memref<200xi32, #tpu.memory_space<vmem>>) semaphore(%arg13 : memref<!tpu.dma_semaphore, #tpu.memory_space<semaphore_mem>>)
    %scan3A = arith.constant 0 : i32
    %scan3A_12 = arith.constant 0 : i32
    %scan3A_13 = arith.constant 50 : i32
    %scan3A_14 = arith.addi %scan3A_12, %scan3A_13 : i32
    %scan3A_15 = arith.constant 1 : i32
    scf.for %scan3A_22 = %scan3A_12 to %scan3A_14 step %scan3A_15  : i32 {
      %mul3A_23 = arith.constant 2 : i32
      %mul3A_24 = arith.muli %mul3A_23, %scan3A_22 : i32
      %mul3A_25 = arith.constant 200 : i32
      %mul3A_26 = arith.muli %mul3A_24, %mul3A_25 : i32
      %dma_wait3A = tpu.memref_slice %arg8[%mul3A_26] : memref<20000xi32, #tpu.memory_space<vmem>> -> memref<200xi32, #tpu.memory_space<vmem>>
      %dma_wait3A_27 = arith.constant 0 : i32
      %dma_wait3A_28 = arith.constant 0 : i32
      %dma_wait3A_29 = tpu.memref_slice %arg2[%dma_wait3A_27, %dma_wait3A_28] : memref<20000x64xf32, #tpu.memory_space<hbm>> -> memref<20000x64xf32, #tpu.memory_space<hbm>>
      tpu.wait_indirect_dma semaphore(%arg12 : memref<!tpu.dma_semaphore, #tpu.memory_space<semaphore_mem>>) src(%dma_wait3A_29 : memref<20000x64xf32, #tpu.memory_space<hbm>>) dst(%arg10 : memref<200x64xf32, #tpu.memory_space<vmem>>)
      %mul3A_30 = arith.constant 200 : i32
      %mul3A_31 = arith.muli %mul3A_24, %mul3A_30 : i32
      "tpu.region"() ({
        %run_scoped3A_54 = tpu.sem_alloc : memref<!tpu.dma_semaphore, #tpu.memory_space<semaphore_mem>>
        %dma_start3A_55 = tpu.memref_slice %arg9[%mul3A_31] : memref<20000xi32, #tpu.memory_space<vmem>> -> memref<200xi32, #tpu.memory_space<vmem>>
        %dma_start3A_56 = arith.constant 0 : i32
        %dma_start3A_57 = arith.constant 0 : i32
        %dma_start3A_58 = tpu.memref_slice %arg7[%dma_start3A_56, %dma_start3A_57] : memref<10240x64xf32, #tpu.memory_space<vmem_shared>> -> memref<10240x64xf32, #tpu.memory_space<vmem_shared>>
        tpu.enqueue_indirect_dma source(%arg10 : memref<200x64xf32, #tpu.memory_space<vmem>>) target(%dma_start3A_58 : memref<10240x64xf32, #tpu.memory_space<vmem_shared>>) offsets(%dma_start3A_55 : memref<200xi32, #tpu.memory_space<vmem>>) semaphore(%run_scoped3A_54 : memref<!tpu.dma_semaphore, #tpu.memory_space<semaphore_mem>>) {add = true}
        %dma_wait3A_59 = tpu.memref_slice %arg9[%mul3A_31] : memref<20000xi32, #tpu.memory_space<vmem>> -> memref<200xi32, #tpu.memory_space<vmem>>
        %dma_wait3A_60 = arith.constant 0 : i32
        %dma_wait3A_61 = arith.constant 0 : i32
        %dma_wait3A_62 = tpu.memref_slice %arg7[%dma_wait3A_60, %dma_wait3A_61] : memref<10240x64xf32, #tpu.memory_space<vmem_shared>> -> memref<10240x64xf32, #tpu.memory_space<vmem_shared>>
        tpu.wait_indirect_dma semaphore(%run_scoped3A_54 : memref<!tpu.dma_semaphore, #tpu.memory_space<semaphore_mem>>) src(%arg10 : memref<200x64xf32, #tpu.memory_space<vmem>>) dst(%dma_wait3A_62 : memref<10240x64xf32, #tpu.memory_space<vmem_shared>>)
        tpu.yield
      }) : () -> ()
      %add3A = arith.constant 1 : i32
      %add3A_32 = arith.addi %scan3A_22, %add3A : i32
      %lt3A = arith.constant 50 : i32
      %lt3A_33 = arith.cmpi slt, %add3A_32, %lt3A : i32
      %convert_element_type3A = arith.extui %lt3A_33 : i1 to i32
      %cond3A = arith.constant 0 : i32
      %cond3A_34 = arith.cmpi ne, %convert_element_type3A, %cond3A : i32
      scf.if %cond3A_34 {
        %add3A_54 = arith.constant 2 : i32
        %add3A_55 = arith.addi %mul3A_24, %add3A_54 : i32
        %mul3A_56 = arith.constant 200 : i32
        %mul3A_57 = arith.muli %add3A_55, %mul3A_56 : i32
        %dma_start3A_58 = tpu.memref_slice %arg8[%mul3A_57] : memref<20000xi32, #tpu.memory_space<vmem>> -> memref<200xi32, #tpu.memory_space<vmem>>
        %dma_start3A_59 = arith.constant 0 : i32
        %dma_start3A_60 = arith.constant 0 : i32
        %dma_start3A_61 = tpu.memref_slice %arg2[%dma_start3A_59, %dma_start3A_60] : memref<20000x64xf32, #tpu.memory_space<hbm>> -> memref<20000x64xf32, #tpu.memory_space<hbm>>
        tpu.enqueue_indirect_dma source(%dma_start3A_61 : memref<20000x64xf32, #tpu.memory_space<hbm>>) target(%arg10 : memref<200x64xf32, #tpu.memory_space<vmem>>) offsets(%dma_start3A_58 : memref<200xi32, #tpu.memory_space<vmem>>) semaphore(%arg12 : memref<!tpu.dma_semaphore, #tpu.memory_space<semaphore_mem>>)
      } else {
      }
      %add3A_35 = arith.constant 1 : i32
      %add3A_36 = arith.addi %mul3A_24, %add3A_35 : i32
      %mul3A_37 = arith.constant 200 : i32
      %mul3A_38 = arith.muli %add3A_36, %mul3A_37 : i32
      %dma_wait3A_39 = tpu.memref_slice %arg8[%mul3A_38] : memref<20000xi32, #tpu.memory_space<vmem>> -> memref<200xi32, #tpu.memory_space<vmem>>
      %dma_wait3A_40 = arith.constant 0 : i32
      %dma_wait3A_41 = arith.constant 0 : i32
      %dma_wait3A_42 = tpu.memref_slice %arg2[%dma_wait3A_40, %dma_wait3A_41] : memref<20000x64xf32, #tpu.memory_space<hbm>> -> memref<20000x64xf32, #tpu.memory_space<hbm>>
      tpu.wait_indirect_dma semaphore(%arg13 : memref<!tpu.dma_semaphore, #tpu.memory_space<semaphore_mem>>) src(%dma_wait3A_42 : memref<20000x64xf32, #tpu.memory_space<hbm>>) dst(%arg11 : memref<200x64xf32, #tpu.memory_space<vmem>>)
      %add3A_43 = arith.constant 1 : i32
      %add3A_44 = arith.addi %mul3A_24, %add3A_43 : i32
      %mul3A_45 = arith.constant 200 : i32
      %mul3A_46 = arith.muli %add3A_44, %mul3A_45 : i32
      "tpu.region"() ({
        %run_scoped3A_54 = tpu.sem_alloc : memref<!tpu.dma_semaphore, #tpu.memory_space<semaphore_mem>>
        %dma_start3A_55 = tpu.memref_slice %arg9[%mul3A_46] : memref<20000xi32, #tpu.memory_space<vmem>> -> memref<200xi32, #tpu.memory_space<vmem>>
        %dma_start3A_56 = arith.constant 0 : i32
        %dma_start3A_57 = arith.constant 0 : i32
        %dma_start3A_58 = tpu.memref_slice %arg7[%dma_start3A_56, %dma_start3A_57] : memref<10240x64xf32, #tpu.memory_space<vmem_shared>> -> memref<10240x64xf32, #tpu.memory_space<vmem_shared>>
        tpu.enqueue_indirect_dma source(%arg11 : memref<200x64xf32, #tpu.memory_space<vmem>>) target(%dma_start3A_58 : memref<10240x64xf32, #tpu.memory_space<vmem_shared>>) offsets(%dma_start3A_55 : memref<200xi32, #tpu.memory_space<vmem>>) semaphore(%run_scoped3A_54 : memref<!tpu.dma_semaphore, #tpu.memory_space<semaphore_mem>>) {add = true}
        %dma_wait3A_59 = tpu.memref_slice %arg9[%mul3A_46] : memref<20000xi32, #tpu.memory_space<vmem>> -> memref<200xi32, #tpu.memory_space<vmem>>
        %dma_wait3A_60 = arith.constant 0 : i32
        %dma_wait3A_61 = arith.constant 0 : i32
        %dma_wait3A_62 = tpu.memref_slice %arg7[%dma_wait3A_60, %dma_wait3A_61] : memref<10240x64xf32, #tpu.memory_space<vmem_shared>> -> memref<10240x64xf32, #tpu.memory_space<vmem_shared>>
        tpu.wait_indirect_dma semaphore(%run_scoped3A_54 : memref<!tpu.dma_semaphore, #tpu.memory_space<semaphore_mem>>) src(%arg11 : memref<200x64xf32, #tpu.memory_space<vmem>>) dst(%dma_wait3A_62 : memref<10240x64xf32, #tpu.memory_space<vmem_shared>>)
        tpu.yield
      }) : () -> ()
      %add3A_47 = arith.constant 1 : i32
      %add3A_48 = arith.addi %scan3A_22, %add3A_47 : i32
      %lt3A_49 = arith.constant 50 : i32
      %lt3A_50 = arith.cmpi slt, %add3A_48, %lt3A_49 : i32
      %convert_element_type3A_51 = arith.extui %lt3A_50 : i1 to i32
      %cond3A_52 = arith.constant 0 : i32
      %cond3A_53 = arith.cmpi ne, %convert_element_type3A_51, %cond3A_52 : i32
      scf.if %cond3A_53 {
        %add3A_54 = arith.constant 3 : i32
        %add3A_55 = arith.addi %mul3A_24, %add3A_54 : i32
        %mul3A_56 = arith.constant 200 : i32
        %mul3A_57 = arith.muli %add3A_55, %mul3A_56 : i32
        %dma_start3A_58 = tpu.memref_slice %arg8[%mul3A_57] : memref<20000xi32, #tpu.memory_space<vmem>> -> memref<200xi32, #tpu.memory_space<vmem>>
        %dma_start3A_59 = arith.constant 0 : i32
        %dma_start3A_60 = arith.constant 0 : i32
        %dma_start3A_61 = tpu.memref_slice %arg2[%dma_start3A_59, %dma_start3A_60] : memref<20000x64xf32, #tpu.memory_space<hbm>> -> memref<20000x64xf32, #tpu.memory_space<hbm>>
        tpu.enqueue_indirect_dma source(%dma_start3A_61 : memref<20000x64xf32, #tpu.memory_space<hbm>>) target(%arg11 : memref<200x64xf32, #tpu.memory_space<vmem>>) offsets(%dma_start3A_58 : memref<200xi32, #tpu.memory_space<vmem>>) semaphore(%arg13 : memref<!tpu.dma_semaphore, #tpu.memory_space<semaphore_mem>>)
      } else {
      }
    }
    %scan3A_16 = arith.constant 50 : i32
    %barrier3A_17 = arith.constant 0 : index
    tpu.barrier barrier_id(%barrier3A_17)
    %mul3A_18 = arith.constant 640 : i32
    %mul3A_19 = arith.muli %arg1, %mul3A_18 : i32
    %mul3A_20 = arith.constant 640 : i32
    %mul3A_21 = arith.muli %arg1, %mul3A_20 : i32
    "tpu.region"() ({
      %run_scoped3A_22 = tpu.sem_alloc : memref<!tpu.dma_semaphore, #tpu.memory_space<semaphore_mem>>
      %dma_start3A_23 = arith.constant 0 : i32
      %dma_start3A_24 = tpu.memref_slice %arg6[%arg0, %mul3A_21, %dma_start3A_23] : memref<2x10240x64xf32, #tpu.memory_space<hbm>> -> memref<1x640x64xf32, #tpu.memory_space<hbm>>
      %dma_start3A_25 = tpu.memref_squeeze %dma_start3A_24 : memref<1x640x64xf32, #tpu.memory_space<hbm>> -> memref<640x64xf32, #tpu.memory_space<hbm>>
      %dma_start3A_26 = arith.constant 0 : i32
      %dma_start3A_27 = tpu.memref_slice %arg7[%mul3A_19, %dma_start3A_26] : memref<10240x64xf32, #tpu.memory_space<vmem_shared>> -> memref<640x64xf32, #tpu.memory_space<vmem_shared>>
      tpu.enqueue_dma source(%dma_start3A_27 : memref<640x64xf32, #tpu.memory_space<vmem_shared>>) target(%dma_start3A_25 : memref<640x64xf32, #tpu.memory_space<hbm>>) target_semaphore(%run_scoped3A_22 : memref<!tpu.dma_semaphore, #tpu.memory_space<semaphore_mem>>)
      %dma_wait3A = arith.constant 0 : i32
      %dma_wait3A_28 = tpu.memref_slice %arg6[%arg0, %mul3A_21, %dma_wait3A] : memref<2x10240x64xf32, #tpu.memory_space<hbm>> -> memref<1x640x64xf32, #tpu.memory_space<hbm>>
      %dma_wait3A_29 = tpu.memref_squeeze %dma_wait3A_28 : memref<1x640x64xf32, #tpu.memory_space<hbm>> -> memref<640x64xf32, #tpu.memory_space<hbm>>
      %dma_wait3A_30 = arith.constant 0 : i32
      %dma_wait3A_31 = tpu.memref_slice %arg7[%mul3A_19, %dma_wait3A_30] : memref<10240x64xf32, #tpu.memory_space<vmem_shared>> -> memref<640x64xf32, #tpu.memory_space<vmem_shared>>
      tpu.wait_dma2 semaphore(%run_scoped3A_22 : memref<!tpu.dma_semaphore, #tpu.memory_space<semaphore_mem>>) src(%dma_wait3A_31 : memref<640x64xf32, #tpu.memory_space<vmem_shared>>) dst(%dma_wait3A_29 : memref<640x64xf32, #tpu.memory_space<hbm>>)
      tpu.yield
    }) : () -> ()
    return
  }
}

module attributes {stable_mosaic.version = 14 : i64} {
  func.func @_tc1_body(%arg0: i32, %arg1: memref<2000x128xf32, #tpu.memory_space<vmem>>, %arg2: memref<2x2000x64xf32, #tpu.memory_space<vmem>>, %arg3: memref<1x2000x8xf32, #tpu.memory_space<vmem>>, %arg4: memref<256x128xf32, #tpu.memory_space<vmem>>, %arg5: memref<1x128xf32, #tpu.memory_space<vmem>>, %arg6: memref<2000x128xf32, #tpu.memory_space<vmem>>) attributes {dimension_semantics = [#tpu.dimension_semantics<arbitrary>], iteration_bounds = array<i64: 5>, scalar_prefetch = 0 : i64, scratch_operands = 0 : i64, tpu.core_type = #tpu.core_type<tc>, window_params = [{transform_indices = @transform_0, window_bounds = array<i64: 2000, 128>}, {transform_indices = @transform_1, window_bounds = array<i64: 2, 2000, 64>}, {transform_indices = @transform_2, window_bounds = array<i64: 1, 2000, 8>}, {pipeline_mode = #tpu.pipeline_mode<synchronous>, transform_indices = @transform_3, window_bounds = array<i64: 256, 128>}, {pipeline_mode = #tpu.pipeline_mode<synchronous>, transform_indices = @transform_4, window_bounds = array<i64: 1, 128>}, {transform_indices = @transform_5, window_bounds = array<i64: 2000, 128>}]} {
    %get3A = arith.constant 0 : index
    %get3A_0 = arith.constant 0 : index
    %get3A_1 = arith.constant 0 : index
    %get3A_2 = vector.load %arg3[%get3A, %get3A_0, %get3A_1] : memref<1x2000x8xf32, #tpu.memory_space<vmem>>, vector<1x2000x1xf32>
    %get3A_3 = vector.shape_cast %get3A_2 : vector<1x2000x1xf32> to vector<2000x1xf32>
    %max3A = arith.constant 1.000000e+00 : f32
    %max3A_4 = vector.broadcast %max3A : f32 to vector<2000x1xf32>
    %max3A_5 = arith.maximumf %get3A_3, %max3A_4 : vector<2000x1xf32>
    %div3A = arith.constant 1.000000e+00 : f32
    %div3A_6 = vector.broadcast %div3A : f32 to vector<2000x1xf32>
    %div3A_7 = arith.divf %div3A_6, %max3A_5 : vector<2000x1xf32>
    %get3A_8 = arith.constant 0 : index
    %get3A_9 = arith.constant 0 : index
    %get3A_10 = vector.load %arg1[%get3A_8, %get3A_9] : memref<2000x128xf32, #tpu.memory_space<vmem>>, vector<2000x128xf32>
    %get3A_11 = arith.constant 0 : index
    %get3A_12 = arith.constant 0 : index
    %get3A_13 = vector.load %arg4[%get3A_11, %get3A_12] : memref<256x128xf32, #tpu.memory_space<vmem>>, vector<128x128xf32>
    %dot_general3A = arith.constant dense<0.000000e+00> : vector<2000x128xf32>
    %dot_general3A_14 = tpu.matmul %get3A_10, %get3A_13, %dot_general3A {dimension_numbers = #tpu.dot_dimension_numbers<[1], [0], [0], [1], [0, 0, 1, 1], [], []>, transpose_lhs_hint = false} : vector<2000x128xf32>, vector<128x128xf32>, vector<2000x128xf32> -> vector<2000x128xf32>
    %get3A_15 = arith.constant 0 : index
    %get3A_16 = arith.constant 0 : index
    %get3A_17 = arith.constant 0 : index
    %get3A_18 = vector.load %arg2[%get3A_15, %get3A_16, %get3A_17] : memref<2x2000x64xf32, #tpu.memory_space<vmem>>, vector<1x2000x64xf32>
    %get3A_19 = vector.shape_cast %get3A_18 : vector<1x2000x64xf32> to vector<2000x64xf32>
    %mul3A = vector.broadcast %div3A_7 : vector<2000x1xf32> to vector<2000x64xf32>
    %mul3A_20 = arith.mulf %get3A_19, %mul3A : vector<2000x64xf32>
    %get3A_21 = arith.constant 128 : index
    %get3A_22 = arith.constant 0 : index
    %get3A_23 = vector.load %arg4[%get3A_21, %get3A_22] : memref<256x128xf32, #tpu.memory_space<vmem>>, vector<64x128xf32>
    %dot_general3A_24 = arith.constant dense<0.000000e+00> : vector<2000x128xf32>
    %dot_general3A_25 = tpu.matmul %mul3A_20, %get3A_23, %dot_general3A_24 {dimension_numbers = #tpu.dot_dimension_numbers<[1], [0], [0], [1], [0, 0, 1, 1], [], []>, transpose_lhs_hint = false} : vector<2000x64xf32>, vector<64x128xf32>, vector<2000x128xf32> -> vector<2000x128xf32>
    %add3A = arith.addf %dot_general3A_14, %dot_general3A_25 : vector<2000x128xf32>
    %get3A_26 = arith.constant 1 : index
    %get3A_27 = arith.constant 0 : index
    %get3A_28 = arith.constant 0 : index
    %get3A_29 = vector.load %arg2[%get3A_26, %get3A_27, %get3A_28] : memref<2x2000x64xf32, #tpu.memory_space<vmem>>, vector<1x2000x64xf32>
    %get3A_30 = vector.shape_cast %get3A_29 : vector<1x2000x64xf32> to vector<2000x64xf32>
    %mul3A_31 = vector.broadcast %div3A_7 : vector<2000x1xf32> to vector<2000x64xf32>
    %mul3A_32 = arith.mulf %get3A_30, %mul3A_31 : vector<2000x64xf32>
    %get3A_33 = arith.constant 192 : index
    %get3A_34 = arith.constant 0 : index
    %get3A_35 = vector.load %arg4[%get3A_33, %get3A_34] : memref<256x128xf32, #tpu.memory_space<vmem>>, vector<64x128xf32>
    %dot_general3A_36 = arith.constant dense<0.000000e+00> : vector<2000x128xf32>
    %dot_general3A_37 = tpu.matmul %mul3A_32, %get3A_35, %dot_general3A_36 {dimension_numbers = #tpu.dot_dimension_numbers<[1], [0], [0], [1], [0, 0, 1, 1], [], []>, transpose_lhs_hint = false} : vector<2000x64xf32>, vector<64x128xf32>, vector<2000x128xf32> -> vector<2000x128xf32>
    %add3A_38 = arith.addf %add3A, %dot_general3A_37 : vector<2000x128xf32>
    %get3A_39 = arith.constant 0 : index
    %get3A_40 = arith.constant 0 : index
    %get3A_41 = vector.load %arg5[%get3A_39, %get3A_40] : memref<1x128xf32, #tpu.memory_space<vmem>>, vector<1x128xf32>
    %add3A_42 = vector.broadcast %get3A_41 : vector<1x128xf32> to vector<2000x128xf32>
    %add3A_43 = arith.addf %add3A_38, %add3A_42 : vector<2000x128xf32>
    %max3A_44 = arith.constant 0.000000e+00 : f32
    %max3A_45 = vector.broadcast %max3A_44 : f32 to vector<2000x128xf32>
    %max3A_46 = arith.maximumf %add3A_43, %max3A_45 : vector<2000x128xf32>
    %swap3A = arith.constant 0 : index
    %swap3A_47 = arith.constant 0 : index
    %swap3A_48 = vector.load %arg6[%swap3A, %swap3A_47] : memref<2000x128xf32, #tpu.memory_space<vmem>>, vector<2000x128xf32>
    tpu.vector_store %arg6[%swap3A, %swap3A_47], %max3A_46 {strides = array<i32>} : memref<2000x128xf32, #tpu.memory_space<vmem>>, vector<2000x128xf32>,
    return
  }
  func.func @transform_0(%arg0: i32) -> (i32, i32) {
    %c0_i32 = arith.constant 0 : i32
    %c0_i32_0 = arith.constant 0 : i32
    return %arg0, %c0_i32 : i32, i32
  }
  func.func @transform_1(%arg0: i32) -> (i32, i32, i32) {
    %c0_i32 = arith.constant 0 : i32
    %c0_i32_0 = arith.constant 0 : i32
    %c0_i32_1 = arith.constant 0 : i32
    return %c0_i32, %arg0, %c0_i32_0 : i32, i32, i32
  }
  func.func @transform_2(%arg0: i32) -> (i32, i32, i32) {
    %c0_i32 = arith.constant 0 : i32
    %c0_i32_0 = arith.constant 0 : i32
    %c0_i32_1 = arith.constant 0 : i32
    return %c0_i32, %arg0, %c0_i32_0 : i32, i32, i32
  }
  func.func @transform_3(%arg0: i32) -> (i32, i32) {
    %c0_i32 = arith.constant 0 : i32
    %c0_i32_0 = arith.constant 0 : i32
    %c0_i32_1 = arith.constant 0 : i32
    return %c0_i32, %c0_i32_0 : i32, i32
  }
  func.func @transform_4(%arg0: i32) -> (i32, i32) {
    %c0_i32 = arith.constant 0 : i32
    %c0_i32_0 = arith.constant 0 : i32
    %c0_i32_1 = arith.constant 0 : i32
    return %c0_i32, %c0_i32_0 : i32, i32
  }
  func.func @transform_5(%arg0: i32) -> (i32, i32) {
    %c0_i32 = arith.constant 0 : i32
    %c0_i32_0 = arith.constant 0 : i32
    return %arg0, %c0_i32 : i32, i32
  }
}

module attributes {stable_mosaic.version = 14 : i64} {
  func.func @_tc2_body(%arg0: i32, %arg1: memref<2000x128xf32, #tpu.memory_space<vmem>>, %arg2: memref<2x2000x64xf32, #tpu.memory_space<vmem>>, %arg3: memref<1x2000x8xf32, #tpu.memory_space<vmem>>, %arg4: memref<256x128xf32, #tpu.memory_space<vmem>>, %arg5: memref<1x128xf32, #tpu.memory_space<vmem>>, %arg6: memref<128x128xf32, #tpu.memory_space<vmem>>, %arg7: memref<1x128xf32, #tpu.memory_space<vmem>>, %arg8: memref<128x2xf32, #tpu.memory_space<vmem>>, %arg9: memref<1x2xf32, #tpu.memory_space<vmem>>, %arg10: memref<2000x2xf32, #tpu.memory_space<vmem>>) attributes {dimension_semantics = [#tpu.dimension_semantics<arbitrary>], iteration_bounds = array<i64: 5>, scalar_prefetch = 0 : i64, scratch_operands = 0 : i64, tpu.core_type = #tpu.core_type<tc>, window_params = [{transform_indices = @transform_0, window_bounds = array<i64: 2000, 128>}, {transform_indices = @transform_1, window_bounds = array<i64: 2, 2000, 64>}, {transform_indices = @transform_2, window_bounds = array<i64: 1, 2000, 8>}, {pipeline_mode = #tpu.pipeline_mode<synchronous>, transform_indices = @transform_3, window_bounds = array<i64: 256, 128>}, {pipeline_mode = #tpu.pipeline_mode<synchronous>, transform_indices = @transform_4, window_bounds = array<i64: 1, 128>}, {pipeline_mode = #tpu.pipeline_mode<synchronous>, transform_indices = @transform_5, window_bounds = array<i64: 128, 128>}, {pipeline_mode = #tpu.pipeline_mode<synchronous>, transform_indices = @transform_6, window_bounds = array<i64: 1, 128>}, {pipeline_mode = #tpu.pipeline_mode<synchronous>, transform_indices = @transform_7, window_bounds = array<i64: 128, 2>}, {pipeline_mode = #tpu.pipeline_mode<synchronous>, transform_indices = @transform_8, window_bounds = array<i64: 1, 2>}, {transform_indices = @transform_9, window_bounds = array<i64: 2000, 2>}]} {
    %get3A = arith.constant 0 : index
    %get3A_0 = arith.constant 0 : index
    %get3A_1 = arith.constant 0 : index
    %get3A_2 = vector.load %arg3[%get3A, %get3A_0, %get3A_1] : memref<1x2000x8xf32, #tpu.memory_space<vmem>>, vector<1x2000x1xf32>
    %get3A_3 = vector.shape_cast %get3A_2 : vector<1x2000x1xf32> to vector<2000x1xf32>
    %max3A = arith.constant 1.000000e+00 : f32
    %max3A_4 = vector.broadcast %max3A : f32 to vector<2000x1xf32>
    %max3A_5 = arith.maximumf %get3A_3, %max3A_4 : vector<2000x1xf32>
    %div3A = arith.constant 1.000000e+00 : f32
    %div3A_6 = vector.broadcast %div3A : f32 to vector<2000x1xf32>
    %div3A_7 = arith.divf %div3A_6, %max3A_5 : vector<2000x1xf32>
    %get3A_8 = arith.constant 0 : index
    %get3A_9 = arith.constant 0 : index
    %get3A_10 = vector.load %arg1[%get3A_8, %get3A_9] : memref<2000x128xf32, #tpu.memory_space<vmem>>, vector<2000x128xf32>
    %get3A_11 = arith.constant 0 : index
    %get3A_12 = arith.constant 0 : index
    %get3A_13 = vector.load %arg4[%get3A_11, %get3A_12] : memref<256x128xf32, #tpu.memory_space<vmem>>, vector<128x128xf32>
    %dot_general3A = arith.constant dense<0.000000e+00> : vector<2000x128xf32>
    %dot_general3A_14 = tpu.matmul %get3A_10, %get3A_13, %dot_general3A {dimension_numbers = #tpu.dot_dimension_numbers<[1], [0], [0], [1], [0, 0, 1, 1], [], []>, transpose_lhs_hint = false} : vector<2000x128xf32>, vector<128x128xf32>, vector<2000x128xf32> -> vector<2000x128xf32>
    %get3A_15 = arith.constant 0 : index
    %get3A_16 = arith.constant 0 : index
    %get3A_17 = arith.constant 0 : index
    %get3A_18 = vector.load %arg2[%get3A_15, %get3A_16, %get3A_17] : memref<2x2000x64xf32, #tpu.memory_space<vmem>>, vector<1x2000x64xf32>
    %get3A_19 = vector.shape_cast %get3A_18 : vector<1x2000x64xf32> to vector<2000x64xf32>
    %mul3A = vector.broadcast %div3A_7 : vector<2000x1xf32> to vector<2000x64xf32>
    %mul3A_20 = arith.mulf %get3A_19, %mul3A : vector<2000x64xf32>
    %get3A_21 = arith.constant 128 : index
    %get3A_22 = arith.constant 0 : index
    %get3A_23 = vector.load %arg4[%get3A_21, %get3A_22] : memref<256x128xf32, #tpu.memory_space<vmem>>, vector<64x128xf32>
    %dot_general3A_24 = arith.constant dense<0.000000e+00> : vector<2000x128xf32>
    %dot_general3A_25 = tpu.matmul %mul3A_20, %get3A_23, %dot_general3A_24 {dimension_numbers = #tpu.dot_dimension_numbers<[1], [0], [0], [1], [0, 0, 1, 1], [], []>, transpose_lhs_hint = false} : vector<2000x64xf32>, vector<64x128xf32>, vector<2000x128xf32> -> vector<2000x128xf32>
    %add3A = arith.addf %dot_general3A_14, %dot_general3A_25 : vector<2000x128xf32>
    %get3A_26 = arith.constant 1 : index
    %get3A_27 = arith.constant 0 : index
    %get3A_28 = arith.constant 0 : index
    %get3A_29 = vector.load %arg2[%get3A_26, %get3A_27, %get3A_28] : memref<2x2000x64xf32, #tpu.memory_space<vmem>>, vector<1x2000x64xf32>
    %get3A_30 = vector.shape_cast %get3A_29 : vector<1x2000x64xf32> to vector<2000x64xf32>
    %mul3A_31 = vector.broadcast %div3A_7 : vector<2000x1xf32> to vector<2000x64xf32>
    %mul3A_32 = arith.mulf %get3A_30, %mul3A_31 : vector<2000x64xf32>
    %get3A_33 = arith.constant 192 : index
    %get3A_34 = arith.constant 0 : index
    %get3A_35 = vector.load %arg4[%get3A_33, %get3A_34] : memref<256x128xf32, #tpu.memory_space<vmem>>, vector<64x128xf32>
    %dot_general3A_36 = arith.constant dense<0.000000e+00> : vector<2000x128xf32>
    %dot_general3A_37 = tpu.matmul %mul3A_32, %get3A_35, %dot_general3A_36 {dimension_numbers = #tpu.dot_dimension_numbers<[1], [0], [0], [1], [0, 0, 1, 1], [], []>, transpose_lhs_hint = false} : vector<2000x64xf32>, vector<64x128xf32>, vector<2000x128xf32> -> vector<2000x128xf32>
    %add3A_38 = arith.addf %add3A, %dot_general3A_37 : vector<2000x128xf32>
    %get3A_39 = arith.constant 0 : index
    %get3A_40 = arith.constant 0 : index
    %get3A_41 = vector.load %arg5[%get3A_39, %get3A_40] : memref<1x128xf32, #tpu.memory_space<vmem>>, vector<1x128xf32>
    %add3A_42 = vector.broadcast %get3A_41 : vector<1x128xf32> to vector<2000x128xf32>
    %add3A_43 = arith.addf %add3A_38, %add3A_42 : vector<2000x128xf32>
    %max3A_44 = arith.constant 0.000000e+00 : f32
    %max3A_45 = vector.broadcast %max3A_44 : f32 to vector<2000x128xf32>
    %max3A_46 = arith.maximumf %add3A_43, %max3A_45 : vector<2000x128xf32>
    %get3A_47 = arith.constant 0 : index
    %get3A_48 = arith.constant 0 : index
    %get3A_49 = vector.load %arg6[%get3A_47, %get3A_48] : memref<128x128xf32, #tpu.memory_space<vmem>>, vector<128x128xf32>
    %dot_general3A_50 = arith.constant dense<0.000000e+00> : vector<2000x128xf32>
    %dot_general3A_51 = tpu.matmul %max3A_46, %get3A_49, %dot_general3A_50 {dimension_numbers = #tpu.dot_dimension_numbers<[1], [0], [0], [1], [0, 0, 1, 1], [], []>, transpose_lhs_hint = false} : vector<2000x128xf32>, vector<128x128xf32>, vector<2000x128xf32> -> vector<2000x128xf32>
    %get3A_52 = arith.constant 0 : index
    %get3A_53 = arith.constant 0 : index
    %get3A_54 = vector.load %arg7[%get3A_52, %get3A_53] : memref<1x128xf32, #tpu.memory_space<vmem>>, vector<1x128xf32>
    %add3A_55 = vector.broadcast %get3A_54 : vector<1x128xf32> to vector<2000x128xf32>
    %add3A_56 = arith.addf %dot_general3A_51, %add3A_55 : vector<2000x128xf32>
    %max3A_57 = arith.constant 0.000000e+00 : f32
    %max3A_58 = vector.broadcast %max3A_57 : f32 to vector<2000x128xf32>
    %max3A_59 = arith.maximumf %add3A_56, %max3A_58 : vector<2000x128xf32>
    %get3A_60 = arith.constant 0 : index
    %get3A_61 = arith.constant 0 : index
    %get3A_62 = vector.load %arg8[%get3A_60, %get3A_61] : memref<128x2xf32, #tpu.memory_space<vmem>>, vector<128x2xf32>
    %dot_general3A_63 = arith.constant dense<0.000000e+00> : vector<2000x2xf32>
    %dot_general3A_64 = tpu.matmul %max3A_59, %get3A_62, %dot_general3A_63 {dimension_numbers = #tpu.dot_dimension_numbers<[1], [0], [0], [1], [0, 0, 1, 1], [], []>, transpose_lhs_hint = false} : vector<2000x128xf32>, vector<128x2xf32>, vector<2000x2xf32> -> vector<2000x2xf32>
    %get3A_65 = arith.constant 0 : index
    %get3A_66 = arith.constant 0 : index
    %get3A_67 = vector.load %arg9[%get3A_65, %get3A_66] : memref<1x2xf32, #tpu.memory_space<vmem>>, vector<1x2xf32>
    %add3A_68 = vector.broadcast %get3A_67 : vector<1x2xf32> to vector<2000x2xf32>
    %add3A_69 = arith.addf %dot_general3A_64, %add3A_68 : vector<2000x2xf32>
    %swap3A = arith.constant 0 : index
    %swap3A_70 = arith.constant 0 : index
    %swap3A_71 = vector.load %arg10[%swap3A, %swap3A_70] : memref<2000x2xf32, #tpu.memory_space<vmem>>, vector<2000x2xf32>
    tpu.vector_store %arg10[%swap3A, %swap3A_70], %add3A_69 {strides = array<i32>} : memref<2000x2xf32, #tpu.memory_space<vmem>>, vector<2000x2xf32>,
    return
  }
  func.func @transform_0(%arg0: i32) -> (i32, i32) {
    %c0_i32 = arith.constant 0 : i32
    %c0_i32_0 = arith.constant 0 : i32
    return %arg0, %c0_i32 : i32, i32
  }
  func.func @transform_1(%arg0: i32) -> (i32, i32, i32) {
    %c0_i32 = arith.constant 0 : i32
    %c0_i32_0 = arith.constant 0 : i32
    %c0_i32_1 = arith.constant 0 : i32
    return %c0_i32, %arg0, %c0_i32_0 : i32, i32, i32
  }
  func.func @transform_2(%arg0: i32) -> (i32, i32, i32) {
    %c0_i32 = arith.constant 0 : i32
    %c0_i32_0 = arith.constant 0 : i32
    %c0_i32_1 = arith.constant 0 : i32
    return %c0_i32, %arg0, %c0_i32_0 : i32, i32, i32
  }
  func.func @transform_3(%arg0: i32) -> (i32, i32) {
    %c0_i32 = arith.constant 0 : i32
    %c0_i32_0 = arith.constant 0 : i32
    %c0_i32_1 = arith.constant 0 : i32
    return %c0_i32, %c0_i32_0 : i32, i32
  }
  func.func @transform_4(%arg0: i32) -> (i32, i32) {
    %c0_i32 = arith.constant 0 : i32
    %c0_i32_0 = arith.constant 0 : i32
    %c0_i32_1 = arith.constant 0 : i32
    return %c0_i32, %c0_i32_0 : i32, i32
  }
  func.func @transform_5(%arg0: i32) -> (i32, i32) {
    %c0_i32 = arith.constant 0 : i32
    %c0_i32_0 = arith.constant 0 : i32
    %c0_i32_1 = arith.constant 0 : i32
    return %c0_i32, %c0_i32_0 : i32, i32
  }
  func.func @transform_6(%arg0: i32) -> (i32, i32) {
    %c0_i32 = arith.constant 0 : i32
    %c0_i32_0 = arith.constant 0 : i32
    %c0_i32_1 = arith.constant 0 : i32
    return %c0_i32, %c0_i32_0 : i32, i32
  }
  func.func @transform_7(%arg0: i32) -> (i32, i32) {
    %c0_i32 = arith.constant 0 : i32
    %c0_i32_0 = arith.constant 0 : i32
    %c0_i32_1 = arith.constant 0 : i32
    return %c0_i32, %c0_i32_0 : i32, i32
  }
  func.func @transform_8(%arg0: i32) -> (i32, i32) {
    %c0_i32 = arith.constant 0 : i32
    %c0_i32_0 = arith.constant 0 : i32
    %c0_i32_1 = arith.constant 0 : i32
    return %c0_i32, %c0_i32_0 : i32, i32
  }
  func.func @transform_9(%arg0: i32) -> (i32, i32) {
    %c0_i32 = arith.constant 0 : i32
    %c0_i32_0 = arith.constant 0 : i32
    return %arg0, %c0_i32 : i32, i32
  }
}

</mosaic_0001>

<sc_bundles>
// kernel: kernel.6.cloned.1.call-start
scs
__scs_entry_jumppad:
0x0: {  	(pc) =	sbr.rel $0x88, $3  }
0x1: {  	(tag) =	ssettag $0x0;
	lr =	simm.s32 $0x1  }
0x2: {  	[smem:$0x3F97] =	sst lr;
	_ =	strace $0xD0000000  }
0x3: {  	_ = 	snop  }
0x4: {  	_ = 	snop  }
0x5: {  	_ = 	snop  }
0x6: {  	_ = 	snop  }
0x7: {  	_ = 	snop  }
__scs_overlays_trampoline_lowered:
0x8: {  	[smem:$0x3FA6] =	sst s0  }
0x9: {  	[smem:$0x3FA7] =	sst s1  }
0xa: {  	[smem:$0x3FA8] =	sst s2  }
0xb: {  	[smem:$0x3FA9] =	sst s3  }
0xc: {  	[smem:$0x3FAA] =	sst s4  }
0xd: {  	[smem:$0x3FAB] =	sst s5  }
0xe: {  	[smem:$0x3FAC] =	sst s6  }
0xf: {  	[smem:$0x3FAD] =	sst s7  }
0x10: {  	[smem:$0x3FAE] =	sst s8  }
0x11: {  	[smem:$0x3FAF] =	sst s9;
	s0 =	simm.s32 @!p0 $0x0  }
0x12: {  	s1 =	sld [smem:$0x3F95];
	s0 =	simm.s32 @p0 $0x1  }
0x13: {  	[smem:$0x3FB0] =	sst s0;
	s0 =	simm.s32 @!p1 $0x0  }
0x14: {  	s2 =	sld [smem:$0x3F94];
	s0 =	simm.s32 @p1 $0x1  }
0x15: {  	[smem:$0x3FB1] =	sst s0;
	s0 =	simm.s32 @!p2 $0x0  }
0x16: {  	s3 =	sld [smem:$0x3FDB];
	s0 =	simm.s32 @p2 $0x1  }
0x17: {  	s4 =	simm.s32 $0x1BF5;
	[smem:$0x3FB3] =	sst s0  }
0x18: {  	s0 =	sld [smem:$0x3F96];
	_ =	swait.ge [sflag:s4], $0x0  }
0x19: {  	s7 =	sld [smem:$0x3F97]  }
0x1a: {  	s8 =	sadd.s32 $0xFFFFE003, lr  }
0x1b: {  	s9 =	sadd.s32 $0xFFFFFEF7, lr;
	s5 =	simm.s32 $0xFFFFFFFF;
	p2 =	slt.u32 s8, $0xFFFFF086  }
0x1c: {  	p1 =	slt.u32 s9, $0xF7A;
	s5 =	simm.s32 @!p2 $0x0  }
0x1d: {  	s5 =	simm.s32 @p1 $0x1;
	p0 =	seq.s32 s7, s2  }
0x1e: {  	s7 =	smul.u32 @!p0 $0xF7A, s2;
	p2 =	seq.s32 @!p0 s5, $0x0  }
0x1f: {  	s9 =	smul.u32 $0xF7A, s1;
	s8 =	simm.s32 @!p0 $0x1BF5;
	p2 =	por !p2, p0  }
0x20: {  	[sflag:s8] =	ssyncset.s32 @!p0 $0xFFFFF086;
	s6 =	sadd.s32 @!p0 s3, s7;
	s7 =	simm.s32 @!p0 $0x108  }
0x21: {  	s3 =	sadd.s32 s3, s9;
	s6 =	sadd.s32 @!p0 $0x88, s6;
	s7 =	simm.s32 @p2 $0x1082  }
0x22: {  	[simem:s7], [sflag:s8] =	dma.local @!p0 [hbm:s6], $0xF7A  }
0x23: {  	s9 =	sor.u32 $0xD0000000, s2;
	s6 =	simm.s32 $0x108;
	_ =	swait.ge @!p0 [sflag:s8], $0x0  }
0x24: {  	s3 =	sadd.s32 $0x88, s3;
	s6 =	simm.s32 @!p1 $0x1082;
	[sflag:s4] =	ssyncset.s32 $0xFFFFF086  }
0x25: {  	[simem:s6], [sflag:s4] =	dma.local [hbm:s3], $0xF7A  }
0x26: {  	[smem:$0x3F97] =	sst s1;
	(tag) =	ssettag s2;
	_ =	strace s9  }
0x27: {  	s1 =	sld [smem:$0x3FA7]  }
0x28: {  	s2 =	sld [smem:$0x3FA8]  }
0x29: {  	s4 =	sld [smem:$0x3FAA]  }
0x2a: {  	p0 =	seq.s32 s5, $0x0;
	s5 =	sld [smem:$0x3FAB]  }
0x2b: {  	s6 =	sld [smem:$0x3FAC]  }
0x2c: {  	s7 =	sld [smem:$0x3FAD]  }
0x2d: {  	s3 =	simm.s32 $0x108;
	s8 =	sld [smem:$0x3FAE]  }
0x2e: {  	s3 =	simm.s32 @!p0 $0x1082;
	s9 =	sld [smem:$0x3FAF]  }
0x2f: {  	lr =	sadd.s32 s0, s3;
	s0 =	sld [smem:$0x3FA6]  }
0x30: {  	s3 =	sld [smem:$0x3FA9]  }
0x31: {  	[smem:$0x3FB2] =	sst s10  }
0x32: {  	s10 =	sld [smem:$0x3FB0];
	_ =	sdelay $0x3  }
0x33: {  	p0 =	seq.s32 s10, $0x1;
	s10 =	sld [smem:$0x3FB2];
	_ =	sdelay $0x3  }
0x34: {  	[smem:$0x3FB2] =	sst s10  }
0x35: {  	s10 =	sld [smem:$0x3FB1];
	_ =	sdelay $0x3  }
0x36: {  	p1 =	seq.s32 s10, $0x1;
	s10 =	sld [smem:$0x3FB2];
	_ =	sdelay $0x3  }
0x37: {  	[smem:$0x3FB2] =	sst s10  }
0x38: {  	s10 =	sld [smem:$0x3FB3]  }
0x39: {  	_ = 	snop;
	(pc) =	sbr.ind lr, $3  }
0x3a: {  	_ = 	snop  }
0x3b: {  	_ = 	snop  }
0x3c: {  	p2 =	seq.s32 s10, $0x1;
	s10 =	sld [smem:$0x3FB2]  }
0x3d: {  	_ =	shalt  }
0x3e: {  	_ =	shalt  }
0x3f: {  	_ =	shalt  }
0x40: {  	_ =	shalt  }
0x41: {  	_ =	shalt  }
0x42: {  	_ =	shalt  }
0x43: {  	_ =	shalt  }
0x44: {  	_ =	shalt  }
0x45: {  	_ =	shalt  }
0x46: {  	_ =	shalt  }
0x47: {  	_ =	shalt  }
0x48: {  	_ =	shalt  }
0x49: {  	_ =	shalt  }
0x4a: {  	_ =	shalt  }
0x4b: {  	_ =	shalt  }
0x4c: {  	_ =	shalt  }
0x4d: {  	_ =	shalt  }
0x4e: {  	_ =	shalt  }
0x4f: {  	_ =	shalt  }
0x50: {  	_ =	shalt  }
0x51: {  	_ =	shalt  }
0x52: {  	_ =	shalt  }
0x53: {  	_ =	shalt  }
0x54: {  	_ =	shalt  }
0x55: {  	_ =	shalt  }
0x56: {  	_ =	shalt  }
0x57: {  	_ =	shalt  }
0x58: {  	_ =	shalt  }
0x59: {  	_ =	shalt  }
0x5a: {  	_ =	shalt  }
0x5b: {  	_ =	shalt  }
0x5c: {  	_ =	shalt  }
0x5d: {  	_ =	shalt  }
0x5e: {  	_ =	shalt  }
0x5f: {  	_ =	shalt  }
0x60: {  	_ =	shalt  }
0x61: {  	_ =	shalt  }
0x62: {  	_ =	shalt  }
0x63: {  	_ =	shalt  }
0x64: {  	_ =	shalt  }
0x65: {  	_ =	shalt  }
0x66: {  	_ =	shalt  }
0x67: {  	_ =	shalt  }
0x68: {  	_ =	shalt  }
0x69: {  	_ =	shalt  }
0x6a: {  	_ =	shalt  }
0x6b: {  	_ =	shalt  }
0x6c: {  	_ =	shalt  }
0x6d: {  	_ =	shalt  }
0x6e: {  	_ =	shalt  }
0x6f: {  	_ =	shalt  }
0x70: {  	_ =	shalt  }
0x71: {  	_ =	shalt  }
0x72: {  	_ =	shalt  }
0x73: {  	_ =	shalt  }
0x74: {  	_ =	shalt  }
0x75: {  	_ =	shalt  }
0x76: {  	_ =	shalt  }
0x77: {  	_ =	shalt  }
0x78: {  	_ =	shalt  }
0x79: {  	_ =	shalt  }
0x7a: {  	_ =	shalt  }
0x7b: {  	_ =	shalt  }
0x7c: {  	_ =	shalt  }
0x7d: {  	_ =	shalt  }
0x7e: {  	_ =	shalt  }
0x7f: {  	_ =	shalt  }
0x80: {  	_ =	shalt  }
0x81: {  	_ =	shalt  }
0x82: {  	_ =	shalt  }
0x83: {  	_ =	shalt  }
0x84: {  	_ =	shalt  }
0x85: {  	_ =	shalt  }
0x86: {  	_ =	shalt  }
0x87: {  	_ =	shalt  }
.Lfunc_end0:
.L_simem_size_0:
called_computation_lowered:
.L_overlay_start_0:
0x88: {  	s2 =	sld [smem:$0x3FD9]  }
0x89: {  	s3 =	sld [smem:$0x3FFE];
	_ =	sdelay $0x1  }
0x8a: {  	s1 =	srdreg.scid  }
0x8b: {  	s0 =	sand.u32 $0x1, s1  }
0x8c: {  	s17 =	sshll.u32 s0, $0xA;
	s2 =	sadd.s32 s3, s2  }
0x8d: {  	s2 =	sadd.s32 s2, s17  }
0x8e: {  	[smem:$0x3FBE] =	sst s2  }
0x8f: {  	_ = 	snop  }
0x90: {  	s2 =	sld [smem:$0x3FC9]  }
0x91: {  	s18 =	sld [smem:$0x3FD0];
	(tm) =	ssettm $0x1  }
0x92: {  	s4 =	sld [smem:$0x3FFB];
	_ =	sdelay $0x3  }
0x93: {  	_ =	strace s4  }
0x94: {  	s4 =	sld [smem:$0x3FFC];
	_ =	sdelay $0x3  }
0x95: {  	_ =	strace s4  }
0x96: {  	s4 =	sld [smem:$0x3FFD];
	_ =	sdelay $0x3  }
0x97: {  	_ =	strace s4  }
0x98: {  	_ =	strace $0x8FFFFFFF  }
0x99: {  	s19 =	sld [smem:$0x3FDB];
	_ =	sdelay $0x1  }
0x9a: {  	s5 =	simm.s32 $_scs_section_size  }
0x9b: {  	s6 =	simm.s32 $_size__tile_overlayer_lowered;
	s7 =	simm.s32 $_tile_overlayer_lowered  }
0x9c: {  	s22 =	simm.s32 $0x1BFF;
	s21 =	sshll.u32 s7, $0x1;
	s4 =	sadd.s32 s5, s19  }
0x9d: {  	s8 =	simm.s32 $0x0;
	s20 =	sshll.u32 s6, $0x1;
	s6 =	sadd.s32 s21, s4  }
0x9e: {  	[timem:s8], [sflag:s22] =	dma.local [hbm:s6], s20  }
0x9f: {  	_ =	swait.ge [sflag:s22], s20  }
0xa0: {  	s5 =	ssub.s32 $0x0, s20;
	[sflag:s22] =	ssyncset.done $0x0  }
0xa1: {  	[sflag:s22] =	ssyncadd.s32 s5;
	_ =	sdelay $0x1  }
0xa2: {  	s23 =	simm.s32 $0x1B8B  }
0xa3: {  	_ =	swait.ge [sflag:s23], $0x1  }
0xa4: {  	[sflag:s23] =	ssyncset.done $0x0  }
0xa5: {  	s25 =	simm.s32 $0x1B8E;
	s24 =	sld [smem:$0x3FFE];
	[sflag:s23] =	ssyncadd.s32 $0xFFFFFFFF  }
0xa6: {  	s26 =	simm.s32 $execute0_lowered;
	[smem:$0x3FD2] =	sst s25  }
0xa7: {  	s6 =	sshll.u32 s26, $0x1;
	_ =	strace $0x80000046;
	[dreg:$0x1] =	wrdreg $0xFFFFFFFF  }
0xa8: {  	s28 =	simm.s32 $_size_execute0_lowered;
	s4 =	sadd.s32 s4, s6;
	[dreg:$0x0] =	wrdreg $0x0  }
0xa9: {  	s6 =	sshll.u32 s28, $0x1;
	[dreg:$0x2] =	wrdreg s4  }
0xaa: {  	[dreg:$0x3] =	wrdreg s6  }
0xab: {  	[dreg:$0x4] =	wrdreg $0xC0  }
0xac: {  	_ =	task [dreg:s8], $0x5FFFF  }
0xad: {  	[dreg:$0x1] =	wrdreg $0xFFFFFFFF  }
0xae: {  	[dreg:$0x0] =	wrdreg $0x60  }
0xaf: {  	[dreg:$0x2] =	wrdreg s2  }
0xb0: {  	[dreg:$0x3] =	wrdreg s24  }
0xb1: {  	[dreg:$0x4] =	wrdreg s18  }
0xb2: {  	[dreg:$0x5] =	wrdreg $0x0  }
0xb3: {  	[dreg:$0x6] =	wrdreg $0xA0000  }
0xb4: {  	[dreg:$0x7] =	wrdreg $0x9  }
0xb5: {  	_ =	task.clear_ibuf [dreg:s8], $0x8FFFF;
	_ =	strace $0x90000046  }
0xb6: {  	s29 =	simm.s32 $0x9;
	_ =	strace $0x80000048  }
0xb7: {  	_ =	swait.ge [sflag:s29], $0x1  }
0xb8: {  	[sflag:s29] =	ssyncadd.s32 $0xFFFFFFFF  }
0xb9: {  	_ =	strace $0x90000048  }
0xba: {  	_ =	sfence  }
0xbb: {  	s30 =	sld [smem:$0x0];
	_ =	sdelay $0x2  }
0xbc: {  	s31 =	sshll.u32 s1, $0xD;
	s1 =	sshrl.u32 s1, $0x2  }
0xbd: {  	s3 =	sand.u32 $0x4000, s31;
	s1 =	sadd.s32 s1, s30  }
0xbe: {  	s0 =	sor.u32 s3, s0;
	s1 =	sshll.u32 s1, $0x11  }
0xbf: {  	s0 =	sor.u32 s1, s0  }
0xc0: {  	s0 =	sadd.s32 $0x8F2B, s0  }
0xc1: {  	[sflag:s0] =	ssyncadd.remote.s32 $0x1  }
0xc2: {  	_ =	sfence.sel $0xFFFF  }
0xc3: {  	[dreg:$0x0] =	wrdreg $0xFFFFFFFF;
	(pc) =	sbr.abs _section_cstart, $3  }
0xc4: {  	[dreg:$0x1] =	wrdreg $0xFFFFFFFF  }
0xc5: {  	_ =	task.clear_ibuf [dreg:s8], $0x2FFFF;
	_ =	strace $0x9FFFFFFF  }
0xc6: {  	(tm) =	ssettm $0x7FFFFFFF  }
0xc7: {  	_ =	shalt  }
tec
execute0_lowered:
.L_overlay_start_1:
0x0: {  	(tag) =	ssettag $0x1  }
0x1: {  	s0 =	rddreg [dreg:$0x0]  }
0x2: {  	s3 =	rddreg [dreg:$0x1]  }
0x3: {  	s1 =	rddreg [dreg:$0x2]  }
0x4: {  	s2 =	srdreg.scid;
	s4 =	rddreg [dreg:$0x3]  }
0x5: {  	s26 =	stileid.u32;
	s5 =	rddreg [dreg:$0x4]  }
0x6: {  	s6 =	simm.s32 $0x0;
	s20 =	simm.s32 $0x10220;
	s21 =	simm.s32 $0xC8  }
0x7: {  	s22 =	simm.s32 $0x15040;
	s23 =	simm.s32 $0xB4C8;
	s10 =	smul.u32 $0xA000, s26  }
0x8: {  	s24 =	simm.s32 $0x18240;
	s25 =	simm.s32 $0x1;
	s11 =	smul.u32 $0x1400, s26  }
0x9: {  	s28 =	simm.s32 $0x14EB0;
	s9 =	sand.u32 $0x1, s2;
	s19 =	smul.u32 $0x9C4, s26  }
0xa: {  	s29 =	simm.s32 $0x14F78;
	s30 =	simm.s32 $0x0;
	s7 =	smul.u32 $0x9C40, s9  }
0xb: {  	[smem:$0x7FF] =	sst s6;
	s16 =	sshll.u32 s26, $0x6;
	s8 =	smul.u32 $0xA0000, s9  }
0xc: {  	s26 =	simm.s32 $0x2;
	s12 =	smul.u32 $0x14000, s9;
	s9 =	ssub.s32 $0x2, s9  }
0xd: {  	_ =	strace $0x80000047;
	s15 =	sshrl.u32 s9, $0x1;
	s17 =	sadd.s32 s10, s4  }
0xe: {  	s31 =	sadd.s32 s11, s5;
	s13 =	sadd.s32 s7, s3;
	s7 =	sadd.s32 $0x2A800, s3  }
0xf: {  	s14 =	sadd.s32 s10, s8;
	s8 =	sadd.s32 $0x2BC00, s3;
	s12 =	sadd.s32 s11, s12  }
0x10: {  	s15 =	ssub.s32 s9, s15;
	s9 =	sor.u32 $0x1C03, s16;
	s16 =	simm.s32 $0x1B440  }
0x11: {  	s14 =	sshrl.u32 s14, $0x3;
	s12 =	sshrl.u32 s12, $0x3;
	s18 =	sadd.s32 $0x16E00, s13  }
0x12: {  	s13 =	sshrl.u32 s17, $0x3;
	s14 =	sadd.s32 s14, s3;
	s12 =	sadd.s32 s12, s3  }
0x13: {  	s3 =	sadd.s32 $0xD040, s3;
	s17 =	sadd.s32 s19, s18;
	s18 =	simm.s32 $0xB400  }
0x14: {  	s10 =	sadd.s32 $0x2BE00, s14;
	s11 =	sadd.s32 $0x53E00, s12;
	s12 =	smax.u32 s15, $0x1  }
0x15: {  	s14 =	simm.s32 $0x3;
	s15 =	sshrl.u32 s31, $0x3;
	s19 =	sadd.s32 s19, s3  }
.LBB2_1:
0x16: {  	[spmem:s13], [sflag:s9] =	dma.local [hbm:s7], $0x1400  }
0x17: {  	_ =	swait.ge [sflag:s14], $0x1400  }
0x18: {  	[sflag:s14] =	ssyncset.done $0x0  }
0x19: {  	[sflag:s14] =	ssyncadd.s32 $0xFFFFEC00  }
0x1a: {  	[spmem:s15], [sflag:s9] =	dma.local [hbm:s1], $0x280  }
0x1b: {  	_ =	swait.ge [sflag:s14], $0x280  }
0x1c: {  	[sflag:s14] =	ssyncset.done $0x0  }
0x1d: {  	[sflag:s14] =	ssyncadd.s32 $0xFFFFFD80  }
0x1e: {  	[tilespmem:s16], [sflag:$0x3] =	stream.linear.gather [hbm4b:s8+s6], $0x640, $0x38;
	[tilespmem:$0x1BA80] =	vst v63  }
0x1f: {  	_ =	swait.ge [sflag:s14], $0x640  }
0x20: {  	[sflag:s14] =	ssyncset.done $0x0  }
0x21: {  	[sflag:s14] =	ssyncadd.s32 $0xFFFFF9C0  }
0x22: {  	[tilespmem:s18], [sflag:$0x3] =	stream.linear.gather [hbm4b:s17+s6], $0x4E20, $0x38;
	[tilespmem:$0x1BA80] =	vst v63  }
0x23: {  	_ =	swait.ge [sflag:s14], $0x4E20  }
0x24: {  	[sflag:s14] =	ssyncset.done $0x0  }
0x25: {  	[sflag:s14] =	ssyncadd.s32 $0xFFFFB1E0  }
0x26: {  	[tilespmem:s20], [sflag:$0x3] =	stream.linear.gather [hbm4b:s19+s6], $0x4E20, $0x38;
	[tilespmem:$0x1BA80] =	vst v63  }
0x27: {  	_ =	swait.ge [sflag:s14], $0x4E20  }
0x28: {  	[sflag:s14] =	ssyncset.done $0x0  }
0x29: {  	[sflag:s14] =	ssyncadd.s32 $0xFFFFB1E0  }
0x2a: {  	[bflag:$0x0] =	sbarrier.arrive $0xFFFF  }
0x2b: {  	[tilespmem:s22], [sflag:$0x1] =	stream.indirect.gather [hbm4b:s0+s21], $0x40, s18, s21, $0xb8;
	[tilespmem:$0x1BA80] =	vst v63  }
0x2c: {  	_ = 	snop  }
0x2d: {  	[tilespmem:s24], [sflag:$0x2] =	stream.indirect.gather [hbm4b:s0+s21], $0x40, s23, s21, $0xb8;
	[tilespmem:$0x1BA80] =	vst v63  }
0x2e: {  	_ =	swait.ge [sflag:s25], $0x3200  }
0x2f: {  	[sflag:s25] =	ssyncset.done $0x0  }
0x30: {  	s3 =	simm.s32 $0x10220;
	[sflag:s25] =	ssyncadd.s32 $0xFFFFCE00  }
0x31: {  	[spmem:s4] =	stream.indirect.scatter.add.f32 [tilespmem:s22], [sflag:$0x3], $0x40, s3, s21, $0xb8;
	[tilespmem:$0x1BA80] =	vst v63  }
0x32: {  	_ =	swait.ge [sflag:s14], $0x3200  }
0x33: {  	[sflag:s14] =	ssyncset.done $0x0  }
0x34: {  	[sflag:s14] =	ssyncadd.s32 $0xFFFFCE00  }
0x35: {  	[spmem:s5] =	stream.indirect.scatter.add.f32 [tilespmem:s16], [sflag:$0x3], $0x8, s3, s21, $0xb8;
	[tilespmem:$0x1BA80] =	vst v63  }
0x36: {  	_ =	swait.ge [sflag:s14], $0x640  }
0x37: {  	[sflag:s14] =	ssyncset.done $0x0  }
0x38: {  	s2 =	simm.s32 $0xB590;
	[sflag:s14] =	ssyncadd.s32 $0xFFFFF9C0  }
0x39: {  	[tilespmem:s22], [sflag:$0x1] =	stream.indirect.gather [hbm4b:s0+s21], $0x40, s2, s21, $0xb8;
	[tilespmem:$0x1BA80] =	vst v63  }
0x3a: {  	_ =	swait.ge [sflag:s26], $0x3200  }
0x3b: {  	[sflag:s26] =	ssyncset.done $0x0  }
0x3c: {  	s2 =	simm.s32 $0x102E8;
	[sflag:s26] =	ssyncadd.s32 $0xFFFFCE00  }
0x3d: {  	[spmem:s4] =	stream.indirect.scatter.add.f32 [tilespmem:s24], [sflag:$0x3], $0x40, s2, s21, $0xb8;
	[tilespmem:$0x1BA80] =	vst v63  }
0x3e: {  	_ =	swait.ge [sflag:s14], $0x3200  }
0x3f: {  	[sflag:s14] =	ssyncset.done $0x0  }
0x40: {  	[sflag:s14] =	ssyncadd.s32 $0xFFFFCE00  }
0x41: {  	[spmem:s5] =	stream.indirect.scatter.add.f32 [tilespmem:s16], [sflag:$0x3], $0x8, s2, s21, $0xb8;
	[tilespmem:$0x1BA80] =	vst v63  }
0x42: {  	_ =	swait.ge [sflag:s14], $0x640  }
0x43: {  	[sflag:s14] =	ssyncset.done $0x0  }
0x44: {  	s31 =	simm.s32 $0x640;
	s3 =	simm.s32 $0xB658;
	[sflag:s14] =	ssyncadd.s32 $0xFFFFF9C0  }
.LBB2_2:
0x45: {  	[tilespmem:s24], [sflag:$0x2] =	stream.indirect.gather [hbm4b:s0+s21], $0x40, s3, s21, $0xb8;
	[tilespmem:$0x1BA80] =	vst v63  }
0x46: {  	s3 =	smov.u32 s31  }
0x47: {  	p0 =	sne.s32 s31, $0x12C00;
	s31 =	sadd.s32 $0x640, s31;
	_ =	swait.ge [sflag:s25], $0x3200  }
0x48: {  	s3 =	sshra.s32 s3, $0x2;
	[sflag:s25] =	ssyncset.done $0x0  }
0x49: {  	s2 =	sadd.s32 $0x10220, s3;
	[sflag:s25] =	ssyncadd.s32 $0xFFFFCE00  }
0x4a: {  	[spmem:s4] =	stream.indirect.scatter.add.f32 [tilespmem:s22], [sflag:$0x3], $0x40, s2, s21, $0xb8;
	[tilespmem:$0x1BA80] =	vst v63  }
0x4b: {  	_ =	swait.ge [sflag:s14], $0x3200  }
0x4c: {  	[sflag:s14] =	ssyncset.done $0x0  }
0x4d: {  	[sflag:s14] =	ssyncadd.s32 $0xFFFFCE00  }
0x4e: {  	[spmem:s5] =	stream.indirect.scatter.add.f32 [tilespmem:s16], [sflag:$0x3], $0x8, s2, s21, $0xb8;
	[tilespmem:$0x1BA80] =	vst v63  }
0x4f: {  	_ =	swait.ge [sflag:s14], $0x640  }
0x50: {  	[sflag:s14] =	ssyncset.done $0x0  }
0x51: {  	s2 =	sadd.s32 $0xB590, s3;
	[sflag:s14] =	ssyncadd.s32 $0xFFFFF9C0  }
0x52: {  	[tilespmem:s22], [sflag:$0x1] =	stream.indirect.gather [hbm4b:s0+s21], $0x40, s2, s21, $0xb8;
	[tilespmem:$0x1BA80] =	vst v63  }
0x53: {  	_ =	swait.ge [sflag:s26], $0x3200  }
0x54: {  	[sflag:s26] =	ssyncset.done $0x0  }
0x55: {  	s2 =	sadd.s32 $0x102E8, s3;
	[sflag:s26] =	ssyncadd.s32 $0xFFFFCE00  }
0x56: {  	[spmem:s4] =	stream.indirect.scatter.add.f32 [tilespmem:s24], [sflag:$0x3], $0x40, s2, s21, $0xb8;
	[tilespmem:$0x1BA80] =	vst v63  }
0x57: {  	_ =	swait.ge [sflag:s14], $0x3200  }
0x58: {  	[sflag:s14] =	ssyncset.done $0x0  }
.Ltmp0:
0x59: {  	[sflag:s14] =	ssyncadd.s32 $0xFFFFCE00;
	(pc) =	sbr.rel @p0 .LBB2_2-.Ltmp0, $4  }
0x5a: {  	[spmem:s5] =	stream.indirect.scatter.add.f32 [tilespmem:s16], [sflag:$0x3], $0x8, s2, s21, $0xb8;
	[tilespmem:$0x1BA80] =	vst v63  }
0x5b: {  	_ =	swait.ge [sflag:s14], $0x640  }
0x5c: {  	[sflag:s14] =	ssyncset.done $0x0  }
0x5d: {  	s3 =	sadd.s32 $0xB658, s3;
	[sflag:s14] =	ssyncadd.s32 $0xFFFFF9C0  }
0x5e: {  	[tilespmem:s24], [sflag:$0x2] =	stream.indirect.gather [hbm4b:s0+s21], $0x40, s3, s21, $0xb8;
	[tilespmem:$0x1BA80] =	vst v63  }
0x5f: {  	_ =	swait.ge [sflag:s25], $0x3200  }
0x60: {  	[sflag:s25] =	ssyncset.done $0x0  }
0x61: {  	[sflag:s25] =	ssyncadd.s32 $0xFFFFCE00  }
0x62: {  	[spmem:s4] =	stream.indirect.scatter.add.f32 [tilespmem:s22], [sflag:$0x3], $0x40, s28, s21, $0xb8;
	[tilespmem:$0x1BA80] =	vst v63  }
0x63: {  	_ =	swait.ge [sflag:s14], $0x3200  }
0x64: {  	[sflag:s14] =	ssyncset.done $0x0  }
0x65: {  	[sflag:s14] =	ssyncadd.s32 $0xFFFFCE00  }
0x66: {  	[spmem:s5] =	stream.indirect.scatter.add.f32 [tilespmem:s16], [sflag:$0x3], $0x8, s28, s21, $0xb8;
	[tilespmem:$0x1BA80] =	vst v63  }
0x67: {  	_ =	swait.ge [sflag:s14], $0x640  }
0x68: {  	[sflag:s14] =	ssyncset.done $0x0  }
0x69: {  	[sflag:s14] =	ssyncadd.s32 $0xFFFFF9C0  }
0x6a: {  	_ =	swait.ge [sflag:s26], $0x3200  }
0x6b: {  	[sflag:s26] =	ssyncset.done $0x0  }
0x6c: {  	[sflag:s26] =	ssyncadd.s32 $0xFFFFCE00  }
0x6d: {  	[spmem:s4] =	stream.indirect.scatter.add.f32 [tilespmem:s24], [sflag:$0x3], $0x40, s29, s21, $0xb8;
	[tilespmem:$0x1BA80] =	vst v63  }
0x6e: {  	_ =	swait.ge [sflag:s14], $0x3200  }
0x6f: {  	[sflag:s14] =	ssyncset.done $0x0  }
0x70: {  	[sflag:s14] =	ssyncadd.s32 $0xFFFFCE00  }
0x71: {  	[spmem:s5] =	stream.indirect.scatter.add.f32 [tilespmem:s16], [sflag:$0x3], $0x8, s29, s21, $0xb8;
	[tilespmem:$0x1BA80] =	vst v63  }
0x72: {  	_ =	swait.ge [sflag:s14], $0x640  }
0x73: {  	[sflag:s14] =	ssyncset.done $0x0  }
0x74: {  	[sflag:s14] =	ssyncadd.s32 $0xFFFFF9C0  }
0x75: {  	[bflag:$0x0] =	sbarrier.arrive $0xFFFF  }
0x76: {  	[hbm:s10], [sflag:s9] =	dma.local [spmem:s13], $0x1400  }
0x77: {  	s30 =	sadd.s32 $0x1, s30;
	_ =	swait.ge [sflag:s14], $0x1400  }
0x78: {  	p0 =	sne.s32 s30, s12;
	[sflag:s14] =	ssyncset.done $0x0  }
.Ltmp1:
0x79: {  	[sflag:s14] =	ssyncadd.s32 $0xFFFFEC00;
	(pc) =	sbr.rel @p0 .LBB2_1-.Ltmp1, $4  }
0x7a: {  	[hbm:s11], [sflag:s9] =	dma.local [spmem:s15], $0x280  }
0x7b: {  	_ =	swait.ge [sflag:s14], $0x280  }
0x7c: {  	[sflag:s14] =	ssyncset.done $0x0  }
0x7d: {  	[sflag:s14] =	ssyncadd.s32 $0xFFFFFD80  }
0x7e: {  	_ =	sfence.sel $0x180000  }
0x7f: {  	[bflag:$0x0] =	sbarrier.arrive $0xFFFF  }
0x80: {  	_ =	strace $0x90000047  }
0x81: {  	s0 =	stileid.u32;
	[bflag:$0x2] =	sbarrier.arrive $0xFFFF  }
0x82: {  	p0 =	sne.s32 s0, $0x0;
	s0 =	rddreg [dreg:$0x5]  }
0x83: {  	s0 =	sadd.s32 @!p0 $0x100000, s0  }
0x84: {  	[sflag:s0] =	ssyncadd.tile.s32 @!p0 $0x1;
	_ =	shalt  }
.Lfunc_end2:
_tile_overlayer_lowered:
.L_overlay_start_2:
0x85: {  	(tag) =	ssettag $0x2  }
0x86: {  	s0 =	rddreg [dreg:$0x0];
	s2 =	stileid.u32  }
0x87: {  	s1 =	rddreg [dreg:$0x1];
	p0 =	sne.s32 s2, $0x0  }
0x88: {  	s3 =	rddreg [dreg:$0x2];
	[bflag:$0x3] =	sbarrier.arrive $0xFFFF;
	s2 =	simm.s32 @!p0 $0x1C03  }
0x89: {  	[timem:s3], [sflag:s2] =	dma.local @!p0 [hbm:s0], s1  }
0x8a: {  	s0 =	simm.s32 @!p0 $0x3  }
0x8b: {  	_ =	swait.ge @!p0 [sflag:s0], s1  }
0x8c: {  	s1 =	ssub.s32 @!p0 $0x0, s1;
	[sflag:s0] =	ssyncset.done @!p0 $0x0  }
0x8d: {  	[sflag:s0] =	ssyncadd.s32 @!p0 s1  }
0x8e: {  	[bflag:$0x3] =	sbarrier.arrive $0xFFFF  }
0x8f: {  	_ =	shalt  }

// kernel: kernel.9.cloned.1.call-start
scs
__scs_entry_jumppad:
0x0: {  	(pc) =	sbr.rel $0x88, $3  }
0x1: {  	(tag) =	ssettag $0x0;
	lr =	simm.s32 $0x1  }
0x2: {  	[smem:$0x3F97] =	sst lr;
	_ =	strace $0xD0000000  }
0x3: {  	_ = 	snop  }
0x4: {  	_ = 	snop  }
0x5: {  	_ = 	snop  }
0x6: {  	_ = 	snop  }
0x7: {  	_ = 	snop  }
__scs_overlays_trampoline_lowered:
0x8: {  	[smem:$0x3FA6] =	sst s0  }
0x9: {  	[smem:$0x3FA7] =	sst s1  }
0xa: {  	[smem:$0x3FA8] =	sst s2  }
0xb: {  	[smem:$0x3FA9] =	sst s3  }
0xc: {  	[smem:$0x3FAA] =	sst s4  }
0xd: {  	[smem:$0x3FAB] =	sst s5  }
0xe: {  	[smem:$0x3FAC] =	sst s6  }
0xf: {  	[smem:$0x3FAD] =	sst s7  }
0x10: {  	[smem:$0x3FAE] =	sst s8  }
0x11: {  	[smem:$0x3FAF] =	sst s9;
	s0 =	simm.s32 @!p0 $0x0  }
0x12: {  	s1 =	sld [smem:$0x3F95];
	s0 =	simm.s32 @p0 $0x1  }
0x13: {  	[smem:$0x3FB0] =	sst s0;
	s0 =	simm.s32 @!p1 $0x0  }
0x14: {  	s2 =	sld [smem:$0x3F94];
	s0 =	simm.s32 @p1 $0x1  }
0x15: {  	[smem:$0x3FB1] =	sst s0;
	s0 =	simm.s32 @!p2 $0x0  }
0x16: {  	s3 =	sld [smem:$0x3FDB];
	s0 =	simm.s32 @p2 $0x1  }
0x17: {  	s4 =	simm.s32 $0x1BF5;
	[smem:$0x3FB3] =	sst s0  }
0x18: {  	s0 =	sld [smem:$0x3F96];
	_ =	swait.ge [sflag:s4], $0x0  }
0x19: {  	s7 =	sld [smem:$0x3F97]  }
0x1a: {  	s8 =	sadd.s32 $0xFFFFE003, lr  }
0x1b: {  	s9 =	sadd.s32 $0xFFFFFEF7, lr;
	s5 =	simm.s32 $0xFFFFFFFF;
	p2 =	slt.u32 s8, $0xFFFFF086  }
0x1c: {  	p1 =	slt.u32 s9, $0xF7A;
	s5 =	simm.s32 @!p2 $0x0  }
0x1d: {  	s5 =	simm.s32 @p1 $0x1;
	p0 =	seq.s32 s7, s2  }
0x1e: {  	s7 =	smul.u32 @!p0 $0xF7A, s2;
	p2 =	seq.s32 @!p0 s5, $0x0  }
0x1f: {  	s9 =	smul.u32 $0xF7A, s1;
	s8 =	simm.s32 @!p0 $0x1BF5;
	p2 =	por !p2, p0  }
0x20: {  	[sflag:s8] =	ssyncset.s32 @!p0 $0xFFFFF086;
	s6 =	sadd.s32 @!p0 s3, s7;
	s7 =	simm.s32 @!p0 $0x108  }
0x21: {  	s3 =	sadd.s32 s3, s9;
	s6 =	sadd.s32 @!p0 $0x88, s6;
	s7 =	simm.s32 @p2 $0x1082  }
0x22: {  	[simem:s7], [sflag:s8] =	dma.local @!p0 [hbm:s6], $0xF7A  }
0x23: {  	s9 =	sor.u32 $0xD0000000, s2;
	s6 =	simm.s32 $0x108;
	_ =	swait.ge @!p0 [sflag:s8], $0x0  }
0x24: {  	s3 =	sadd.s32 $0x88, s3;
	s6 =	simm.s32 @!p1 $0x1082;
	[sflag:s4] =	ssyncset.s32 $0xFFFFF086  }
0x25: {  	[simem:s6], [sflag:s4] =	dma.local [hbm:s3], $0xF7A  }
0x26: {  	[smem:$0x3F97] =	sst s1;
	(tag) =	ssettag s2;
	_ =	strace s9  }
0x27: {  	s1 =	sld [smem:$0x3FA7]  }
0x28: {  	s2 =	sld [smem:$0x3FA8]  }
0x29: {  	s4 =	sld [smem:$0x3FAA]  }
0x2a: {  	p0 =	seq.s32 s5, $0x0;
	s5 =	sld [smem:$0x3FAB]  }
0x2b: {  	s6 =	sld [smem:$0x3FAC]  }
0x2c: {  	s7 =	sld [smem:$0x3FAD]  }
0x2d: {  	s3 =	simm.s32 $0x108;
	s8 =	sld [smem:$0x3FAE]  }
0x2e: {  	s3 =	simm.s32 @!p0 $0x1082;
	s9 =	sld [smem:$0x3FAF]  }
0x2f: {  	lr =	sadd.s32 s0, s3;
	s0 =	sld [smem:$0x3FA6]  }
0x30: {  	s3 =	sld [smem:$0x3FA9]  }
0x31: {  	[smem:$0x3FB2] =	sst s10  }
0x32: {  	s10 =	sld [smem:$0x3FB0];
	_ =	sdelay $0x3  }
0x33: {  	p0 =	seq.s32 s10, $0x1;
	s10 =	sld [smem:$0x3FB2];
	_ =	sdelay $0x3  }
0x34: {  	[smem:$0x3FB2] =	sst s10  }
0x35: {  	s10 =	sld [smem:$0x3FB1];
	_ =	sdelay $0x3  }
0x36: {  	p1 =	seq.s32 s10, $0x1;
	s10 =	sld [smem:$0x3FB2];
	_ =	sdelay $0x3  }
0x37: {  	[smem:$0x3FB2] =	sst s10  }
0x38: {  	s10 =	sld [smem:$0x3FB3]  }
0x39: {  	_ = 	snop;
	(pc) =	sbr.ind lr, $3  }
0x3a: {  	_ = 	snop  }
0x3b: {  	_ = 	snop  }
0x3c: {  	p2 =	seq.s32 s10, $0x1;
	s10 =	sld [smem:$0x3FB2]  }
0x3d: {  	_ =	shalt  }
0x3e: {  	_ =	shalt  }
0x3f: {  	_ =	shalt  }
0x40: {  	_ =	shalt  }
0x41: {  	_ =	shalt  }
0x42: {  	_ =	shalt  }
0x43: {  	_ =	shalt  }
0x44: {  	_ =	shalt  }
0x45: {  	_ =	shalt  }
0x46: {  	_ =	shalt  }
0x47: {  	_ =	shalt  }
0x48: {  	_ =	shalt  }
0x49: {  	_ =	shalt  }
0x4a: {  	_ =	shalt  }
0x4b: {  	_ =	shalt  }
0x4c: {  	_ =	shalt  }
0x4d: {  	_ =	shalt  }
0x4e: {  	_ =	shalt  }
0x4f: {  	_ =	shalt  }
0x50: {  	_ =	shalt  }
0x51: {  	_ =	shalt  }
0x52: {  	_ =	shalt  }
0x53: {  	_ =	shalt  }
0x54: {  	_ =	shalt  }
0x55: {  	_ =	shalt  }
0x56: {  	_ =	shalt  }
0x57: {  	_ =	shalt  }
0x58: {  	_ =	shalt  }
0x59: {  	_ =	shalt  }
0x5a: {  	_ =	shalt  }
0x5b: {  	_ =	shalt  }
0x5c: {  	_ =	shalt  }
0x5d: {  	_ =	shalt  }
0x5e: {  	_ =	shalt  }
0x5f: {  	_ =	shalt  }
0x60: {  	_ =	shalt  }
0x61: {  	_ =	shalt  }
0x62: {  	_ =	shalt  }
0x63: {  	_ =	shalt  }
0x64: {  	_ =	shalt  }
0x65: {  	_ =	shalt  }
0x66: {  	_ =	shalt  }
0x67: {  	_ =	shalt  }
0x68: {  	_ =	shalt  }
0x69: {  	_ =	shalt  }
0x6a: {  	_ =	shalt  }
0x6b: {  	_ =	shalt  }
0x6c: {  	_ =	shalt  }
0x6d: {  	_ =	shalt  }
0x6e: {  	_ =	shalt  }
0x6f: {  	_ =	shalt  }
0x70: {  	_ =	shalt  }
0x71: {  	_ =	shalt  }
0x72: {  	_ =	shalt  }
0x73: {  	_ =	shalt  }
0x74: {  	_ =	shalt  }
0x75: {  	_ =	shalt  }
0x76: {  	_ =	shalt  }
0x77: {  	_ =	shalt  }
0x78: {  	_ =	shalt  }
0x79: {  	_ =	shalt  }
0x7a: {  	_ =	shalt  }
0x7b: {  	_ =	shalt  }
0x7c: {  	_ =	shalt  }
0x7d: {  	_ =	shalt  }
0x7e: {  	_ =	shalt  }
0x7f: {  	_ =	shalt  }
0x80: {  	_ =	shalt  }
0x81: {  	_ =	shalt  }
0x82: {  	_ =	shalt  }
0x83: {  	_ =	shalt  }
0x84: {  	_ =	shalt  }
0x85: {  	_ =	shalt  }
0x86: {  	_ =	shalt  }
0x87: {  	_ =	shalt  }
.Lfunc_end0:
.L_simem_size_0:
called_computation.1_lowered:
.L_overlay_start_0:
0x88: {  	s2 =	sld [smem:$0x3FD9]  }
0x89: {  	s3 =	sld [smem:$0x3FFE];
	_ =	sdelay $0x1  }
0x8a: {  	s1 =	srdreg.scid  }
0x8b: {  	s0 =	sand.u32 $0x1, s1  }
0x8c: {  	s16 =	sshll.u32 s0, $0xA;
	s2 =	sadd.s32 s3, s2  }
0x8d: {  	s2 =	sadd.s32 s2, s16  }
0x8e: {  	[smem:$0x3FBE] =	sst s2  }
0x8f: {  	_ = 	snop  }
0x90: {  	(tm) =	ssettm $0x1  }
0x91: {  	s17 =	sld [smem:$0x3FFB];
	_ =	sdelay $0x3  }
0x92: {  	_ =	strace s17  }
0x93: {  	s2 =	sld [smem:$0x3FFC];
	_ =	sdelay $0x3  }
0x94: {  	_ =	strace s2  }
0x95: {  	s2 =	sld [smem:$0x3FFD];
	_ =	sdelay $0x3  }
0x96: {  	_ =	strace s2  }
0x97: {  	_ =	strace $0x8FFFFFFF  }
0x98: {  	s18 =	sld [smem:$0x3FDB];
	_ =	sdelay $0x1  }
0x99: {  	s19 =	simm.s32 $_scs_section_size  }
0x9a: {  	s4 =	simm.s32 $_size__tile_overlayer_lowered;
	s5 =	simm.s32 $_tile_overlayer_lowered  }
0x9b: {  	s22 =	simm.s32 $0x1BFF;
	s21 =	sshll.u32 s5, $0x1;
	s2 =	sadd.s32 s19, s18  }
0x9c: {  	s6 =	simm.s32 $0x0;
	s20 =	sshll.u32 s4, $0x1;
	s4 =	sadd.s32 s21, s2  }
0x9d: {  	[timem:s6], [sflag:s22] =	dma.local [hbm:s4], s20  }
0x9e: {  	_ =	swait.ge [sflag:s22], s20  }
0x9f: {  	s3 =	ssub.s32 $0x0, s20;
	[sflag:s22] =	ssyncset.done $0x0  }
0xa0: {  	[sflag:s22] =	ssyncadd.s32 s3;
	_ =	sdelay $0x1  }
0xa1: {  	s23 =	simm.s32 $0x1B8B  }
0xa2: {  	_ =	swait.ge [sflag:s23], $0x1  }
0xa3: {  	[sflag:s23] =	ssyncset.done $0x0  }
0xa4: {  	s25 =	simm.s32 $0x1B8E;
	s24 =	sld [smem:$0x3FFE];
	[sflag:s23] =	ssyncadd.s32 $0xFFFFFFFF  }
0xa5: {  	s26 =	simm.s32 $execute0_lowered;
	[smem:$0x3FD2] =	sst s25  }
0xa6: {  	s4 =	sshll.u32 s26, $0x1;
	_ =	strace $0x80000049;
	[dreg:$0x1] =	wrdreg $0xFFFFFFFF  }
0xa7: {  	s28 =	simm.s32 $_size_execute0_lowered;
	s2 =	sadd.s32 s2, s4;
	[dreg:$0x0] =	wrdreg $0x0  }
0xa8: {  	s4 =	sshll.u32 s28, $0x1;
	[dreg:$0x2] =	wrdreg s2  }
0xa9: {  	[dreg:$0x3] =	wrdreg s4  }
0xaa: {  	[dreg:$0x4] =	wrdreg $0xC0  }
0xab: {  	_ =	task [dreg:s6], $0x5FFFF  }
0xac: {  	[dreg:$0x1] =	wrdreg $0xFFFFFFFF  }
0xad: {  	[dreg:$0x0] =	wrdreg $0x60  }
0xae: {  	[dreg:$0x2] =	wrdreg s24  }
0xaf: {  	[dreg:$0x3] =	wrdreg $0x0  }
0xb0: {  	[dreg:$0x4] =	wrdreg $0x9  }
0xb1: {  	_ =	task.clear_ibuf [dreg:s6], $0x5FFFF;
	_ =	strace $0x90000049  }
0xb2: {  	s29 =	simm.s32 $0x9;
	_ =	strace $0x8000004B  }
0xb3: {  	_ =	swait.ge [sflag:s29], $0x1  }
0xb4: {  	[sflag:s29] =	ssyncadd.s32 $0xFFFFFFFF  }
0xb5: {  	_ =	strace $0x9000004B  }
0xb6: {  	_ =	sfence  }
0xb7: {  	s30 =	sld [smem:$0x0];
	_ =	sdelay $0x2  }
0xb8: {  	s31 =	sshll.u32 s1, $0xD;
	s1 =	sshrl.u32 s1, $0x2  }
0xb9: {  	s3 =	sand.u32 $0x4000, s31;
	s1 =	sadd.s32 s1, s30  }
0xba: {  	s0 =	sor.u32 s3, s0;
	s1 =	sshll.u32 s1, $0x11  }
0xbb: {  	s0 =	sor.u32 s1, s0  }
0xbc: {  	s0 =	sadd.s32 $0x8F2B, s0  }
0xbd: {  	[sflag:s0] =	ssyncadd.remote.s32 $0x1  }
0xbe: {  	_ =	sfence.sel $0xFFFF  }
0xbf: {  	[dreg:$0x0] =	wrdreg $0xFFFFFFFF;
	(pc) =	sbr.abs _section_cstart, $3  }
0xc0: {  	[dreg:$0x1] =	wrdreg $0xFFFFFFFF  }
0xc1: {  	_ =	task.clear_ibuf [dreg:s6], $0x2FFFF;
	_ =	strace $0x9FFFFFFF  }
0xc2: {  	(tm) =	ssettm $0x7FFFFFFF  }
0xc3: {  	_ =	shalt  }
tec
execute0_lowered:
.L_overlay_start_1:
0x0: {  	(tag) =	ssettag $0x1  }
0x1: {  	s7 =	rddreg [dreg:$0x0];
	s1 =	srdreg.scid  }
0x2: {  	s0 =	stileid.u32;
	s2 =	rddreg [dreg:$0x1];
	s3 =	simm.s32 $0x0  }
0x3: {  	s15 =	simm.s32 $0xC8;
	s16 =	simm.s32 $0x13C40;
	s17 =	simm.s32 $0xA0C8  }
0x4: {  	s18 =	simm.s32 $0x16E40;
	s19 =	simm.s32 $0x1;
	s20 =	simm.s32 $0x2  }
0x5: {  	s21 =	simm.s32 $0x13AB0;
	s22 =	simm.s32 $0x13B78;
	s23 =	simm.s32 $0x0  }
0x6: {  	s5 =	sand.u32 $0x1, s1;
	s6 =	smul.u32 $0xA000, s0;
	s1 =	rddreg [dreg:$0x2]  }
0x7: {  	[smem:$0x7FF] =	sst s3;
	s4 =	sadd.s32 $0x7BC00, s7;
	s13 =	smul.u32 $0x9C4, s0  }
0x8: {  	s31 =	sshll.u32 s0, $0x6;
	s14 =	sadd.s32 $0xD040, s7;
	s8 =	smul.u32 $0xA0000, s5  }
0x9: {  	s9 =	smul.u32 $0x9C40, s5;
	_ =	strace $0x8000004A;
	s10 =	ssub.s32 $0x2, s5  }
0xa: {  	s5 =	sadd.s32 $0x2A800, s7;
	s11 =	sshrl.u32 s10, $0x1;
	s30 =	sadd.s32 s6, s2  }
0xb: {  	s8 =	sadd.s32 s6, s8;
	s9 =	sadd.s32 s9, s7;
	s10 =	ssub.s32 s10, s11  }
0xc: {  	s6 =	sor.u32 $0x1C03, s31;
	s8 =	sshrl.u32 s8, $0x3;
	s12 =	sadd.s32 $0x16E00, s9  }
0xd: {  	s9 =	sshrl.u32 s30, $0x3;
	s8 =	sadd.s32 s8, s7;
	s11 =	sadd.s32 s13, s12  }
0xe: {  	s12 =	simm.s32 $0xA000;
	s13 =	sadd.s32 s13, s14;
	s14 =	simm.s32 $0xEE20  }
0xf: {  	s7 =	sadd.s32 $0xA2E00, s8;
	s8 =	smax.u32 s10, $0x1;
	s10 =	simm.s32 $0x3  }
.LBB2_1:
0x10: {  	[spmem:s9], [sflag:s6] =	dma.local [hbm:s5], $0x1400  }
0x11: {  	_ =	swait.ge [sflag:s10], $0x1400  }
0x12: {  	[sflag:s10] =	ssyncset.done $0x0  }
0x13: {  	[sflag:s10] =	ssyncadd.s32 $0xFFFFEC00  }
0x14: {  	[tilespmem:s12], [sflag:$0x3] =	stream.linear.gather [hbm4b:s11+s3], $0x4E20, $0x38;
	[tilespmem:$0x1A040] =	vst v63  }
0x15: {  	_ =	swait.ge [sflag:s10], $0x4E20  }
0x16: {  	[sflag:s10] =	ssyncset.done $0x0  }
0x17: {  	[sflag:s10] =	ssyncadd.s32 $0xFFFFB1E0  }
0x18: {  	[tilespmem:s14], [sflag:$0x3] =	stream.linear.gather [hbm4b:s13+s3], $0x4E20, $0x38;
	[tilespmem:$0x1A040] =	vst v63  }
0x19: {  	_ =	swait.ge [sflag:s10], $0x4E20  }
0x1a: {  	[sflag:s10] =	ssyncset.done $0x0  }
0x1b: {  	[sflag:s10] =	ssyncadd.s32 $0xFFFFB1E0  }
0x1c: {  	[bflag:$0x0] =	sbarrier.arrive $0xFFFF  }
0x1d: {  	[tilespmem:s16], [sflag:$0x1] =	stream.indirect.gather [hbm4b:s4+s15], $0x40, s12, s15, $0xb8;
	[tilespmem:$0x1A040] =	vst v63  }
0x1e: {  	_ = 	snop  }
0x1f: {  	[tilespmem:s18], [sflag:$0x2] =	stream.indirect.gather [hbm4b:s4+s15], $0x40, s17, s15, $0xb8;
	[tilespmem:$0x1A040] =	vst v63  }
0x20: {  	_ =	swait.ge [sflag:s19], $0x3200  }
0x21: {  	[sflag:s19] =	ssyncset.done $0x0  }
0x22: {  	s24 =	simm.s32 $0xEE20;
	[sflag:s19] =	ssyncadd.s32 $0xFFFFCE00  }
0x23: {  	[spmem:s2] =	stream.indirect.scatter.add.f32 [tilespmem:s16], [sflag:$0x3], $0x40, s24, s15, $0xb8;
	[tilespmem:$0x1A040] =	vst v63  }
0x24: {  	_ =	swait.ge [sflag:s10], $0x3200  }
0x25: {  	[sflag:s10] =	ssyncset.done $0x0  }
0x26: {  	s30 =	simm.s32 $0xA190;
	[sflag:s10] =	ssyncadd.s32 $0xFFFFCE00  }
0x27: {  	[tilespmem:s16], [sflag:$0x1] =	stream.indirect.gather [hbm4b:s4+s15], $0x40, s30, s15, $0xb8;
	[tilespmem:$0x1A040] =	vst v63  }
0x28: {  	_ =	swait.ge [sflag:s20], $0x3200  }
0x29: {  	[sflag:s20] =	ssyncset.done $0x0  }
0x2a: {  	s31 =	simm.s32 $0xEEE8;
	[sflag:s20] =	ssyncadd.s32 $0xFFFFCE00  }
0x2b: {  	[spmem:s2] =	stream.indirect.scatter.add.f32 [tilespmem:s18], [sflag:$0x3], $0x40, s31, s15, $0xb8;
	[tilespmem:$0x1A040] =	vst v63  }
0x2c: {  	_ =	swait.ge [sflag:s10], $0x3200  }
0x2d: {  	[sflag:s10] =	ssyncset.done $0x0  }
0x2e: {  	s25 =	simm.s32 $0xA258;
	s24 =	simm.s32 $0x640;
	[sflag:s10] =	ssyncadd.s32 $0xFFFFCE00  }
.LBB2_2:
0x2f: {  	[tilespmem:s18], [sflag:$0x2] =	stream.indirect.gather [hbm4b:s4+s15], $0x40, s25, s15, $0xb8;
	[tilespmem:$0x1A040] =	vst v63  }
0x30: {  	s25 =	smov.u32 s24  }
0x31: {  	p0 =	sne.s32 s24, $0x12C00;
	s24 =	sadd.s32 $0x640, s24;
	_ =	swait.ge [sflag:s19], $0x3200  }
0x32: {  	s25 =	sshra.s32 s25, $0x2;
	[sflag:s19] =	ssyncset.done $0x0  }
0x33: {  	s26 =	sadd.s32 $0xEE20, s25;
	[sflag:s19] =	ssyncadd.s32 $0xFFFFCE00  }
0x34: {  	[spmem:s2] =	stream.indirect.scatter.add.f32 [tilespmem:s16], [sflag:$0x3], $0x40, s26, s15, $0xb8;
	[tilespmem:$0x1A040] =	vst v63  }
0x35: {  	_ =	swait.ge [sflag:s10], $0x3200  }
0x36: {  	[sflag:s10] =	ssyncset.done $0x0  }
0x37: {  	s26 =	sadd.s32 $0xA190, s25;
	[sflag:s10] =	ssyncadd.s32 $0xFFFFCE00  }
0x38: {  	[tilespmem:s16], [sflag:$0x1] =	stream.indirect.gather [hbm4b:s4+s15], $0x40, s26, s15, $0xb8;
	[tilespmem:$0x1A040] =	vst v63  }
0x39: {  	_ =	swait.ge [sflag:s20], $0x3200  }
0x3a: {  	[sflag:s20] =	ssyncset.done $0x0  }
.Ltmp0:
0x3b: {  	s26 =	sadd.s32 $0xEEE8, s25;
	[sflag:s20] =	ssyncadd.s32 $0xFFFFCE00;
	(pc) =	sbr.rel @p0 .LBB2_2-.Ltmp0, $4  }
0x3c: {  	[spmem:s2] =	stream.indirect.scatter.add.f32 [tilespmem:s18], [sflag:$0x3], $0x40, s26, s15, $0xb8;
	[tilespmem:$0x1A040] =	vst v63  }
0x3d: {  	_ =	swait.ge [sflag:s10], $0x3200  }
0x3e: {  	[sflag:s10] =	ssyncset.done $0x0  }
0x3f: {  	s25 =	sadd.s32 $0xA258, s25;
	[sflag:s10] =	ssyncadd.s32 $0xFFFFCE00  }
0x40: {  	[tilespmem:s18], [sflag:$0x2] =	stream.indirect.gather [hbm4b:s4+s15], $0x40, s25, s15, $0xb8;
	[tilespmem:$0x1A040] =	vst v63  }
0x41: {  	_ =	swait.ge [sflag:s19], $0x3200  }
0x42: {  	[sflag:s19] =	ssyncset.done $0x0  }
0x43: {  	[sflag:s19] =	ssyncadd.s32 $0xFFFFCE00  }
0x44: {  	[spmem:s2] =	stream.indirect.scatter.add.f32 [tilespmem:s16], [sflag:$0x3], $0x40, s21, s15, $0xb8;
	[tilespmem:$0x1A040] =	vst v63  }
0x45: {  	_ =	swait.ge [sflag:s10], $0x3200  }
0x46: {  	[sflag:s10] =	ssyncset.done $0x0  }
0x47: {  	[sflag:s10] =	ssyncadd.s32 $0xFFFFCE00  }
0x48: {  	_ =	swait.ge [sflag:s20], $0x3200  }
0x49: {  	[sflag:s20] =	ssyncset.done $0x0  }
0x4a: {  	[sflag:s20] =	ssyncadd.s32 $0xFFFFCE00  }
0x4b: {  	[spmem:s2] =	stream.indirect.scatter.add.f32 [tilespmem:s18], [sflag:$0x3], $0x40, s22, s15, $0xb8;
	[tilespmem:$0x1A040] =	vst v63  }
0x4c: {  	_ =	swait.ge [sflag:s10], $0x3200  }
0x4d: {  	s23 =	sadd.s32 $0x1, s23;
	[sflag:s10] =	ssyncset.done $0x0  }
0x4e: {  	p0 =	sne.s32 s23, s8;
	[sflag:s10] =	ssyncadd.s32 $0xFFFFCE00  }
.Ltmp1:
0x4f: {  	[bflag:$0x0] =	sbarrier.arrive $0xFFFF;
	(pc) =	sbr.rel @p0 .LBB2_1-.Ltmp1, $4  }
0x50: {  	[hbm:s7], [sflag:s6] =	dma.local [spmem:s9], $0x1400  }
0x51: {  	_ =	swait.ge [sflag:s10], $0x1400  }
0x52: {  	[sflag:s10] =	ssyncset.done $0x0  }
0x53: {  	[sflag:s10] =	ssyncadd.s32 $0xFFFFEC00  }
0x54: {  	_ =	sfence.sel $0x180000  }
0x55: {  	[bflag:$0x0] =	sbarrier.arrive $0xFFFF  }
0x56: {  	p0 =	sne.s32 s0, $0x0;
	_ =	strace $0x9000004A  }
0x57: {  	s0 =	sadd.s32 @!p0 $0x100000, s1;
	[bflag:$0x2] =	sbarrier.arrive $0xFFFF  }
0x58: {  	[sflag:s0] =	ssyncadd.tile.s32 @!p0 $0x1;
	_ =	shalt  }
.Lfunc_end2:
_tile_overlayer_lowered:
.L_overlay_start_2:
0x59: {  	(tag) =	ssettag $0x2  }
0x5a: {  	s0 =	rddreg [dreg:$0x0];
	s2 =	stileid.u32  }
0x5b: {  	s1 =	rddreg [dreg:$0x1];
	p0 =	sne.s32 s2, $0x0  }
0x5c: {  	s3 =	rddreg [dreg:$0x2];
	[bflag:$0x3] =	sbarrier.arrive $0xFFFF;
	s2 =	simm.s32 @!p0 $0x1C03  }
0x5d: {  	[timem:s3], [sflag:s2] =	dma.local @!p0 [hbm:s0], s1  }
0x5e: {  	s0 =	simm.s32 @!p0 $0x3  }
0x5f: {  	_ =	swait.ge @!p0 [sflag:s0], s1  }
0x60: {  	s1 =	ssub.s32 @!p0 $0x0, s1;
	[sflag:s0] =	ssyncset.done @!p0 $0x0  }
0x61: {  	[sflag:s0] =	ssyncadd.s32 @!p0 s1  }
0x62: {  	[bflag:$0x3] =	sbarrier.arrive $0xFFFF  }
0x63: {  	_ =	shalt  }

</sc_bundles>
